<compile_context>
chip_gen: v7x
topology: tpu7x:2x2x1
jax: 0.10.2.dev20260603
libtpu: 0.0.44.dev20260713+nightly
codegen_flags: <defaults>
</compile_context>

<pallas_src>
import numpy as np
import jax
import jax.numpy as jnp
from jax.experimental import pallas as pl

N_BATCH = 16
N_CHAN = 512
N_COL = 4096
SL = 32
LN = 128

CB = 64
NCB = N_CHAN // CB


def _body(in_ref, out_ref):
    for j in range(CB):
        out_ref[0, j] = in_ref[0, CB - 1 - j]


def kernel(x, cond):
    del cond
    x4 = x.reshape(N_BATCH, N_CHAN, SL, LN)
    z4 = pl.pallas_call(
        _body,
        grid=(N_BATCH, NCB),
        in_specs=[
            pl.BlockSpec((1, CB, SL, LN),
                         lambda b, c: (b, NCB - 1 - c, 0, 0)),
        ],
        out_specs=pl.BlockSpec((1, CB, SL, LN), lambda b, c: (b, c, 0, 0)),
        out_shape=jax.ShapeDtypeStruct((N_BATCH, N_CHAN, SL, LN),
                                       jnp.float32),
    )(x4)
    log_det_J = jnp.zeros((1,), dtype=jnp.float32)
    return (z4.reshape(N_BATCH, N_CHAN, N_COL), log_det_J)

# --- scband reference (transcript-rebuilt; emitter-appended) ---
"""Pipeline reference for scband-shuffle-permutation-61194694033714 (READ-ONLY COPY).

The authoritative reference and input builder live on the scoring server;
editing this copy changes nothing except your own understanding.
"""

import jax, jax.numpy as jnp
import numpy as np

N_CHANNEL = 512
# permutation == 'reverse': direct_idx = arange(n_channel-1, -1, -1)
DIRECT_IDX = jnp.arange(N_CHANNEL - 1, -1, -1, dtype=jnp.int32)


def setup_inputs(seed: int = 0) -> dict:
    key = jax.random.key(seed)
    x = jax.random.normal(key, (16, 512, 4096), dtype=jnp.float32)
    cond = 0  # ignored placeholder second forward arg ('_')
    return {"x": x, "cond": cond}


def reference(x, cond):
    # Faithful translation of ShufflePermutation.forward with permutation='reverse':
    # gather along channel axis, log-det of a permutation is 0.
    log_det_J = jnp.array([0.0], dtype=jnp.float32)
    z = jnp.take(x, DIRECT_IDX, axis=1)
    return (z, log_det_J)

if __name__ == "__main__":
    import jax
    _d = setup_inputs()
    print(jax.jit(kernel)(*tuple(_d.values())))

</pallas_src>

<mosaic_0001>
module attributes {stable_mosaic.version = 14 : i64} {
  func.func @_body(%arg0: i32, %arg1: i32, %arg2: memref<1x64x32x128xf32, #tpu.memory_space<vmem>>, %arg3: memref<1x64x32x128xf32, #tpu.memory_space<vmem>>) attributes {dimension_semantics = [#tpu.dimension_semantics<arbitrary>, #tpu.dimension_semantics<arbitrary>], iteration_bounds = array<i64: 16, 8>, scalar_prefetch = 0 : i64, scratch_operands = 0 : i64, tpu.core_type = #tpu.core_type<tc>, window_params = [{transform_indices = @transform_0, window_bounds = array<i64: 1, 64, 32, 128>}, {transform_indices = @transform_1, window_bounds = array<i64: 1, 64, 32, 128>}]} {
    %get3A = arith.constant 0 : index
    %get3A_0 = arith.constant 63 : index
    %get3A_1 = arith.constant 0 : index
    %get3A_2 = arith.constant 0 : index
    %get3A_3 = vector.load %arg2[%get3A, %get3A_0, %get3A_1, %get3A_2] : memref<1x64x32x128xf32, #tpu.memory_space<vmem>>, vector<1x1x32x128xf32>
    %get3A_4 = vector.shape_cast %get3A_3 : vector<1x1x32x128xf32> to vector<32x128xf32>
    %swap3A = arith.constant 0 : index
    %swap3A_5 = arith.constant 0 : index
    %swap3A_6 = arith.constant 0 : index
    %swap3A_7 = arith.constant 0 : index
    %swap3A_8 = vector.load %arg3[%swap3A, %swap3A_5, %swap3A_6, %swap3A_7] : memref<1x64x32x128xf32, #tpu.memory_space<vmem>>, vector<1x1x32x128xf32>
    %swap3A_9 = vector.shape_cast %swap3A_8 : vector<1x1x32x128xf32> to vector<32x128xf32>
    %swap3A_10 = vector.shape_cast %get3A_4 : vector<32x128xf32> to vector<1x1x32x128xf32>
    tpu.vector_store %arg3[%swap3A, %swap3A_5, %swap3A_6, %swap3A_7], %swap3A_10 {strides = array<i32>} : memref<1x64x32x128xf32, #tpu.memory_space<vmem>>, vector<1x1x32x128xf32>,
    %get3A_11 = arith.constant 0 : index
    %get3A_12 = arith.constant 62 : index
    %get3A_13 = arith.constant 0 : index
    %get3A_14 = arith.constant 0 : index
    %get3A_15 = vector.load %arg2[%get3A_11, %get3A_12, %get3A_13, %get3A_14] : memref<1x64x32x128xf32, #tpu.memory_space<vmem>>, vector<1x1x32x128xf32>
    %get3A_16 = vector.shape_cast %get3A_15 : vector<1x1x32x128xf32> to vector<32x128xf32>
    %swap3A_17 = arith.constant 0 : index
    %swap3A_18 = arith.constant 1 : index
    %swap3A_19 = arith.constant 0 : index
    %swap3A_20 = arith.constant 0 : index
    %swap3A_21 = vector.load %arg3[%swap3A_17, %swap3A_18, %swap3A_19, %swap3A_20] : memref<1x64x32x128xf32, #tpu.memory_space<vmem>>, vector<1x1x32x128xf32>
    %swap3A_22 = vector.shape_cast %swap3A_21 : vector<1x1x32x128xf32> to vector<32x128xf32>
    %swap3A_23 = vector.shape_cast %get3A_16 : vector<32x128xf32> to vector<1x1x32x128xf32>
    tpu.vector_store %arg3[%swap3A_17, %swap3A_18, %swap3A_19, %swap3A_20], %swap3A_23 {strides = array<i32>} : memref<1x64x32x128xf32, #tpu.memory_space<vmem>>, vector<1x1x32x128xf32>,
    %get3A_24 = arith.constant 0 : index
    %get3A_25 = arith.constant 61 : index
    %get3A_26 = arith.constant 0 : index
    %get3A_27 = arith.constant 0 : index
    %get3A_28 = vector.load %arg2[%get3A_24, %get3A_25, %get3A_26, %get3A_27] : memref<1x64x32x128xf32, #tpu.memory_space<vmem>>, vector<1x1x32x128xf32>
    %get3A_29 = vector.shape_cast %get3A_28 : vector<1x1x32x128xf32> to vector<32x128xf32>
    %swap3A_30 = arith.constant 0 : index
    %swap3A_31 = arith.constant 2 : index
    %swap3A_32 = arith.constant 0 : index
    %swap3A_33 = arith.constant 0 : index
    %swap3A_34 = vector.load %arg3[%swap3A_30, %swap3A_31, %swap3A_32, %swap3A_33] : memref<1x64x32x128xf32, #tpu.memory_space<vmem>>, vector<1x1x32x128xf32>
    %swap3A_35 = vector.shape_cast %swap3A_34 : vector<1x1x32x128xf32> to vector<32x128xf32>
    %swap3A_36 = vector.shape_cast %get3A_29 : vector<32x128xf32> to vector<1x1x32x128xf32>
    tpu.vector_store %arg3[%swap3A_30, %swap3A_31, %swap3A_32, %swap3A_33], %swap3A_36 {strides = array<i32>} : memref<1x64x32x128xf32, #tpu.memory_space<vmem>>, vector<1x1x32x128xf32>,
    %get3A_37 = arith.constant 0 : index
    %get3A_38 = arith.constant 60 : index
    %get3A_39 = arith.constant 0 : index
    %get3A_40 = arith.constant 0 : index
    %get3A_41 = vector.load %arg2[%get3A_37, %get3A_38, %get3A_39, %get3A_40] : memref<1x64x32x128xf32, #tpu.memory_space<vmem>>, vector<1x1x32x128xf32>
    %get3A_42 = vector.shape_cast %get3A_41 : vector<1x1x32x128xf32> to vector<32x128xf32>
    %swap3A_43 = arith.constant 0 : index
    %swap3A_44 = arith.constant 3 : index
    %swap3A_45 = arith.constant 0 : index
    %swap3A_46 = arith.constant 0 : index
    %swap3A_47 = vector.load %arg3[%swap3A_43, %swap3A_44, %swap3A_45, %swap3A_46] : memref<1x64x32x128xf32, #tpu.memory_space<vmem>>, vector<1x1x32x128xf32>
    %swap3A_48 = vector.shape_cast %swap3A_47 : vector<1x1x32x128xf32> to vector<32x128xf32>
    %swap3A_49 = vector.shape_cast %get3A_42 : vector<32x128xf32> to vector<1x1x32x128xf32>
    tpu.vector_store %arg3[%swap3A_43, %swap3A_44, %swap3A_45, %swap3A_46], %swap3A_49 {strides = array<i32>} : memref<1x64x32x128xf32, #tpu.memory_space<vmem>>, vector<1x1x32x128xf32>,
    %get3A_50 = arith.constant 0 : index
    %get3A_51 = arith.constant 59 : index
    %get3A_52 = arith.constant 0 : index
    %get3A_53 = arith.constant 0 : index
    %get3A_54 = vector.load %arg2[%get3A_50, %get3A_51, %get3A_52, %get3A_53] : memref<1x64x32x128xf32, #tpu.memory_space<vmem>>, vector<1x1x32x128xf32>
    %get3A_55 = vector.shape_cast %get3A_54 : vector<1x1x32x128xf32> to vector<32x128xf32>
    %swap3A_56 = arith.constant 0 : index
    %swap3A_57 = arith.constant 4 : index
    %swap3A_58 = arith.constant 0 : index
    %swap3A_59 = arith.constant 0 : index
    %swap3A_60 = vector.load %arg3[%swap3A_56, %swap3A_57, %swap3A_58, %swap3A_59] : memref<1x64x32x128xf32, #tpu.memory_space<vmem>>, vector<1x1x32x128xf32>
    %swap3A_61 = vector.shape_cast %swap3A_60 : vector<1x1x32x128xf32> to vector<32x128xf32>
    %swap3A_62 = vector.shape_cast %get3A_55 : vector<32x128xf32> to vector<1x1x32x128xf32>
    tpu.vector_store %arg3[%swap3A_56, %swap3A_57, %swap3A_58, %swap3A_59], %swap3A_62 {strides = array<i32>} : memref<1x64x32x128xf32, #tpu.memory_space<vmem>>, vector<1x1x32x128xf32>,
    %get3A_63 = arith.constant 0 : index
    %get3A_64 = arith.constant 58 : index
    %get3A_65 = arith.constant 0 : index
    %get3A_66 = arith.constant 0 : index
    %get3A_67 = vector.load %arg2[%get3A_63, %get3A_64, %get3A_65, %get3A_66] : memref<1x64x32x128xf32, #tpu.memory_space<vmem>>, vector<1x1x32x128xf32>
    %get3A_68 = vector.shape_cast %get3A_67 : vector<1x1x32x128xf32> to vector<32x128xf32>
    %swap3A_69 = arith.constant 0 : index
    %swap3A_70 = arith.constant 5 : index
    %swap3A_71 = arith.constant 0 : index
    %swap3A_72 = arith.constant 0 : index
    %swap3A_73 = vector.load %arg3[%swap3A_69, %swap3A_70, %swap3A_71, %swap3A_72] : memref<1x64x32x128xf32, #tpu.memory_space<vmem>>, vector<1x1x32x128xf32>
    %swap3A_74 = vector.shape_cast %swap3A_73 : vector<1x1x32x128xf32> to vector<32x128xf32>
    %swap3A_75 = vector.shape_cast %get3A_68 : vector<32x128xf32> to vector<1x1x32x128xf32>
    tpu.vector_store %arg3[%swap3A_69, %swap3A_70, %swap3A_71, %swap3A_72], %swap3A_75 {strides = array<i32>} : memref<1x64x32x128xf32, #tpu.memory_space<vmem>>, vector<1x1x32x128xf32>,
    %get3A_76 = arith.constant 0 : index
    %get3A_77 = arith.constant 57 : index
    %get3A_78 = arith.constant 0 : index
    %get3A_79 = arith.constant 0 : index
    %get3A_80 = vector.load %arg2[%get3A_76, %get3A_77, %get3A_78, %get3A_79] : memref<1x64x32x128xf32, #tpu.memory_space<vmem>>, vector<1x1x32x128xf32>
    %get3A_81 = vector.shape_cast %get3A_80 : vector<1x1x32x128xf32> to vector<32x128xf32>
    %swap3A_82 = arith.constant 0 : index
    %swap3A_83 = arith.constant 6 : index
    %swap3A_84 = arith.constant 0 : index
    %swap3A_85 = arith.constant 0 : index
    %swap3A_86 = vector.load %arg3[%swap3A_82, %swap3A_83, %swap3A_84, %swap3A_85] : memref<1x64x32x128xf32, #tpu.memory_space<vmem>>, vector<1x1x32x128xf32>
    %swap3A_87 = vector.shape_cast %swap3A_86 : vector<1x1x32x128xf32> to vector<32x128xf32>
    %swap3A_88 = vector.shape_cast %get3A_81 : vector<32x128xf32> to vector<1x1x32x128xf32>
    tpu.vector_store %arg3[%swap3A_82, %swap3A_83, %swap3A_84, %swap3A_85], %swap3A_88 {strides = array<i32>} : memref<1x64x32x128xf32, #tpu.memory_space<vmem>>, vector<1x1x32x128xf32>,
    %get3A_89 = arith.constant 0 : index
    %get3A_90 = arith.constant 56 : index
    %get3A_91 = arith.constant 0 : index
    %get3A_92 = arith.constant 0 : index
    %get3A_93 = vector.load %arg2[%get3A_89, %get3A_90, %get3A_91, %get3A_92] : memref<1x64x32x128xf32, #tpu.memory_space<vmem>>, vector<1x1x32x128xf32>
    %get3A_94 = vector.shape_cast %get3A_93 : vector<1x1x32x128xf32> to vector<32x128xf32>
    %swap3A_95 = arith.constant 0 : index
    %swap3A_96 = arith.constant 7 : index
    %swap3A_97 = arith.constant 0 : index
    %swap3A_98 = arith.constant 0 : index
    %swap3A_99 = vector.load %arg3[%swap3A_95, %swap3A_96, %swap3A_97, %swap3A_98] : memref<1x64x32x128xf32, #tpu.memory_space<vmem>>, vector<1x1x32x128xf32>
    %swap3A_100 = vector.shape_cast %swap3A_99 : vector<1x1x32x128xf32> to vector<32x128xf32>
    %swap3A_101 = vector.shape_cast %get3A_94 : vector<32x128xf32> to vector<1x1x32x128xf32>
    tpu.vector_store %arg3[%swap3A_95, %swap3A_96, %swap3A_97, %swap3A_98], %swap3A_101 {strides = array<i32>} : memref<1x64x32x128xf32, #tpu.memory_space<vmem>>, vector<1x1x32x128xf32>,
    %get3A_102 = arith.constant 0 : index
    %get3A_103 = arith.constant 55 : index
    %get3A_104 = arith.constant 0 : index
    %get3A_105 = arith.constant 0 : index
    %get3A_106 = vector.load %arg2[%get3A_102, %get3A_103, %get3A_104, %get3A_105] : memref<1x64x32x128xf32, #tpu.memory_space<vmem>>, vector<1x1x32x128xf32>
    %get3A_107 = vector.shape_cast %get3A_106 : vector<1x1x32x128xf32> to vector<32x128xf32>
    %swap3A_108 = arith.constant 0 : index
    %swap3A_109 = arith.constant 8 : index
    %swap3A_110 = arith.constant 0 : index
    %swap3A_111 = arith.constant 0 : index
    %swap3A_112 = vector.load %arg3[%swap3A_108, %swap3A_109, %swap3A_110, %swap3A_111] : memref<1x64x32x128xf32, #tpu.memory_space<vmem>>, vector<1x1x32x128xf32>
    %swap3A_113 = vector.shape_cast %swap3A_112 : vector<1x1x32x128xf32> to vector<32x128xf32>
    %swap3A_114 = vector.shape_cast %get3A_107 : vector<32x128xf32> to vector<1x1x32x128xf32>
    tpu.vector_store %arg3[%swap3A_108, %swap3A_109, %swap3A_110, %swap3A_111], %swap3A_114 {strides = array<i32>} : memref<1x64x32x128xf32, #tpu.memory_space<vmem>>, vector<1x1x32x128xf32>,
    %get3A_115 = arith.constant 0 : index
    %get3A_116 = arith.constant 54 : index
    %get3A_117 = arith.constant 0 : index
    %get3A_118 = arith.constant 0 : index
    %get3A_119 = vector.load %arg2[%get3A_115, %get3A_116, %get3A_117, %get3A_118] : memref<1x64x32x128xf32, #tpu.memory_space<vmem>>, vector<1x1x32x128xf32>
    %get3A_120 = vector.shape_cast %get3A_119 : vector<1x1x32x128xf32> to vector<32x128xf32>
    %swap3A_121 = arith.constant 0 : index
    %swap3A_122 = arith.constant 9 : index
    %swap3A_123 = arith.constant 0 : index
    %swap3A_124 = arith.constant 0 : index
    %swap3A_125 = vector.load %arg3[%swap3A_121, %swap3A_122, %swap3A_123, %swap3A_124] : memref<1x64x32x128xf32, #tpu.memory_space<vmem>>, vector<1x1x32x128xf32>
    %swap3A_126 = vector.shape_cast %swap3A_125 : vector<1x1x32x128xf32> to vector<32x128xf32>
    %swap3A_127 = vector.shape_cast %get3A_120 : vector<32x128xf32> to vector<1x1x32x128xf32>
    tpu.vector_store %arg3[%swap3A_121, %swap3A_122, %swap3A_123, %swap3A_124], %swap3A_127 {strides = array<i32>} : memref<1x64x32x128xf32, #tpu.memory_space<vmem>>, vector<1x1x32x128xf32>,
    %get3A_128 = arith.constant 0 : index
    %get3A_129 = arith.constant 53 : index
    %get3A_130 = arith.constant 0 : index
    %get3A_131 = arith.constant 0 : index
    %get3A_132 = vector.load %arg2[%get3A_128, %get3A_129, %get3A_130, %get3A_131] : memref<1x64x32x128xf32, #tpu.memory_space<vmem>>, vector<1x1x32x128xf32>
    %get3A_133 = vector.shape_cast %get3A_132 : vector<1x1x32x128xf32> to vector<32x128xf32>
    %swap3A_134 = arith.constant 0 : index
    %swap3A_135 = arith.constant 10 : index
    %swap3A_136 = arith.constant 0 : index
    %swap3A_137 = arith.constant 0 : index
    %swap3A_138 = vector.load %arg3[%swap3A_134, %swap3A_135, %swap3A_136, %swap3A_137] : memref<1x64x32x128xf32, #tpu.memory_space<vmem>>, vector<1x1x32x128xf32>
    %swap3A_139 = vector.shape_cast %swap3A_138 : vector<1x1x32x128xf32> to vector<32x128xf32>
    %swap3A_140 = vector.shape_cast %get3A_133 : vector<32x128xf32> to vector<1x1x32x128xf32>
    tpu.vector_store %arg3[%swap3A_134, %swap3A_135, %swap3A_136, %swap3A_137], %swap3A_140 {strides = array<i32>} : memref<1x64x32x128xf32, #tpu.memory_space<vmem>>, vector<1x1x32x128xf32>,
    %get3A_141 = arith.constant 0 : index
    %get3A_142 = arith.constant 52 : index
    %get3A_143 = arith.constant 0 : index
    %get3A_144 = arith.constant 0 : index
    %get3A_145 = vector.load %arg2[%get3A_141, %get3A_142, %get3A_143, %get3A_144] : memref<1x64x32x128xf32, #tpu.memory_space<vmem>>, vector<1x1x32x128xf32>
    %get3A_146 = vector.shape_cast %get3A_145 : vector<1x1x32x128xf32> to vector<32x128xf32>
    %swap3A_147 = arith.constant 0 : index
    %swap3A_148 = arith.constant 11 : index
    %swap3A_149 = arith.constant 0 : index
    %swap3A_150 = arith.constant 0 : index
    %swap3A_151 = vector.load %arg3[%swap3A_147, %swap3A_148, %swap3A_149, %swap3A_150] : memref<1x64x32x128xf32, #tpu.memory_space<vmem>>, vector<1x1x32x128xf32>
    %swap3A_152 = vector.shape_cast %swap3A_151 : vector<1x1x32x128xf32> to vector<32x128xf32>
    %swap3A_153 = vector.shape_cast %get3A_146 : vector<32x128xf32> to vector<1x1x32x128xf32>
    tpu.vector_store %arg3[%swap3A_147, %swap3A_148, %swap3A_149, %swap3A_150], %swap3A_153 {strides = array<i32>} : memref<1x64x32x128xf32, #tpu.memory_space<vmem>>, vector<1x1x32x128xf32>,
    %get3A_154 = arith.constant 0 : index
    %get3A_155 = arith.constant 51 : index
    %get3A_156 = arith.constant 0 : index
    %get3A_157 = arith.constant 0 : index
    %get3A_158 = vector.load %arg2[%get3A_154, %get3A_155, %get3A_156, %get3A_157] : memref<1x64x32x128xf32, #tpu.memory_space<vmem>>, vector<1x1x32x128xf32>
    %get3A_159 = vector.shape_cast %get3A_158 : vector<1x1x32x128xf32> to vector<32x128xf32>
    %swap3A_160 = arith.constant 0 : index
    %swap3A_161 = arith.constant 12 : index
    %swap3A_162 = arith.constant 0 : index
    %swap3A_163 = arith.constant 0 : index
    %swap3A_164 = vector.load %arg3[%swap3A_160, %swap3A_161, %swap3A_162, %swap3A_163] : memref<1x64x32x128xf32, #tpu.memory_space<vmem>>, vector<1x1x32x128xf32>
    %swap3A_165 = vector.shape_cast %swap3A_164 : vector<1x1x32x128xf32> to vector<32x128xf32>
    %swap3A_166 = vector.shape_cast %get3A_159 : vector<32x128xf32> to vector<1x1x32x128xf32>
    tpu.vector_store %arg3[%swap3A_160, %swap3A_161, %swap3A_162, %swap3A_163], %swap3A_166 {strides = array<i32>} : memref<1x64x32x128xf32, #tpu.memory_space<vmem>>, vector<1x1x32x128xf32>,
    %get3A_167 = arith.constant 0 : index
    %get3A_168 = arith.constant 50 : index
    %get3A_169 = arith.constant 0 : index
    %get3A_170 = arith.constant 0 : index
    %get3A_171 = vector.load %arg2[%get3A_167, %get3A_168, %get3A_169, %get3A_170] : memref<1x64x32x128xf32, #tpu.memory_space<vmem>>, vector<1x1x32x128xf32>
    %get3A_172 = vector.shape_cast %get3A_171 : vector<1x1x32x128xf32> to vector<32x128xf32>
    %swap3A_173 = arith.constant 0 : index
    %swap3A_174 = arith.constant 13 : index
    %swap3A_175 = arith.constant 0 : index
    %swap3A_176 = arith.constant 0 : index
    %swap3A_177 = vector.load %arg3[%swap3A_173, %swap3A_174, %swap3A_175, %swap3A_176] : memref<1x64x32x128xf32, #tpu.memory_space<vmem>>, vector<1x1x32x128xf32>
    %swap3A_178 = vector.shape_cast %swap3A_177 : vector<1x1x32x128xf32> to vector<32x128xf32>
    %swap3A_179 = vector.shape_cast %get3A_172 : vector<32x128xf32> to vector<1x1x32x128xf32>
    tpu.vector_store %arg3[%swap3A_173, %swap3A_174, %swap3A_175, %swap3A_176], %swap3A_179 {strides = array<i32>} : memref<1x64x32x128xf32, #tpu.memory_space<vmem>>, vector<1x1x32x128xf32>,
    %get3A_180 = arith.constant 0 : index
    %get3A_181 = arith.constant 49 : index
    %get3A_182 = arith.constant 0 : index
    %get3A_183 = arith.constant 0 : index
    %get3A_184 = vector.load %arg2[%get3A_180, %get3A_181, %get3A_182, %get3A_183] : memref<1x64x32x128xf32, #tpu.memory_space<vmem>>, vector<1x1x32x128xf32>
    %get3A_185 = vector.shape_cast %get3A_184 : vector<1x1x32x128xf32> to vector<32x128xf32>
    %swap3A_186 = arith.constant 0 : index
    %swap3A_187 = arith.constant 14 : index
    %swap3A_188 = arith.constant 0 : index
    %swap3A_189 = arith.constant 0 : index
    %swap3A_190 = vector.load %arg3[%swap3A_186, %swap3A_187, %swap3A_188, %swap3A_189] : memref<1x64x32x128xf32, #tpu.memory_space<vmem>>, vector<1x1x32x128xf32>
    %swap3A_191 = vector.shape_cast %swap3A_190 : vector<1x1x32x128xf32> to vector<32x128xf32>
    %swap3A_192 = vector.shape_cast %get3A_185 : vector<32x128xf32> to vector<1x1x32x128xf32>
    tpu.vector_store %arg3[%swap3A_186, %swap3A_187, %swap3A_188, %swap3A_189], %swap3A_192 {strides = array<i32>} : memref<1x64x32x128xf32, #tpu.memory_space<vmem>>, vector<1x1x32x128xf32>,
    %get3A_193 = arith.constant 0 : index
    %get3A_194 = arith.constant 48 : index
    %get3A_195 = arith.constant 0 : index
    %get3A_196 = arith.constant 0 : index
    %get3A_197 = vector.load %arg2[%get3A_193, %get3A_194, %get3A_195, %get3A_196] : memref<1x64x32x128xf32, #tpu.memory_space<vmem>>, vector<1x1x32x128xf32>
    %get3A_198 = vector.shape_cast %get3A_197 : vector<1x1x32x128xf32> to vector<32x128xf32>
    %swap3A_199 = arith.constant 0 : index
    %swap3A_200 = arith.constant 15 : index
    %swap3A_201 = arith.constant 0 : index
    %swap3A_202 = arith.constant 0 : index
    %swap3A_203 = vector.load %arg3[%swap3A_199, %swap3A_200, %swap3A_201, %swap3A_202] : memref<1x64x32x128xf32, #tpu.memory_space<vmem>>, vector<1x1x32x128xf32>
    %swap3A_204 = vector.shape_cast %swap3A_203 : vector<1x1x32x128xf32> to vector<32x128xf32>
    %swap3A_205 = vector.shape_cast %get3A_198 : vector<32x128xf32> to vector<1x1x32x128xf32>
    tpu.vector_store %arg3[%swap3A_199, %swap3A_200, %swap3A_201, %swap3A_202], %swap3A_205 {strides = array<i32>} : memref<1x64x32x128xf32, #tpu.memory_space<vmem>>, vector<1x1x32x128xf32>,
    %get3A_206 = arith.constant 0 : index
    %get3A_207 = arith.constant 47 : index
    %get3A_208 = arith.constant 0 : index
    %get3A_209 = arith.constant 0 : index
    %get3A_210 = vector.load %arg2[%get3A_206, %get3A_207, %get3A_208, %get3A_209] : memref<1x64x32x128xf32, #tpu.memory_space<vmem>>, vector<1x1x32x128xf32>
    %get3A_211 = vector.shape_cast %get3A_210 : vector<1x1x32x128xf32> to vector<32x128xf32>
    %swap3A_212 = arith.constant 0 : index
    %swap3A_213 = arith.constant 16 : index
    %swap3A_214 = arith.constant 0 : index
    %swap3A_215 = arith.constant 0 : index
    %swap3A_216 = vector.load %arg3[%swap3A_212, %swap3A_213, %swap3A_214, %swap3A_215] : memref<1x64x32x128xf32, #tpu.memory_space<vmem>>, vector<1x1x32x128xf32>
    %swap3A_217 = vector.shape_cast %swap3A_216 : vector<1x1x32x128xf32> to vector<32x128xf32>
    %swap3A_218 = vector.shape_cast %get3A_211 : vector<32x128xf32> to vector<1x1x32x128xf32>
    tpu.vector_store %arg3[%swap3A_212, %swap3A_213, %swap3A_214, %swap3A_215], %swap3A_218 {strides = array<i32>} : memref<1x64x32x128xf32, #tpu.memory_space<vmem>>, vector<1x1x32x128xf32>,
    %get3A_219 = arith.constant 0 : index
    %get3A_220 = arith.constant 46 : index
    %get3A_221 = arith.constant 0 : index
    %get3A_222 = arith.constant 0 : index
    %get3A_223 = vector.load %arg2[%get3A_219, %get3A_220, %get3A_221, %get3A_222] : memref<1x64x32x128xf32, #tpu.memory_space<vmem>>, vector<1x1x32x128xf32>
    %get3A_224 = vector.shape_cast %get3A_223 : vector<1x1x32x128xf32> to vector<32x128xf32>
    %swap3A_225 = arith.constant 0 : index
    %swap3A_226 = arith.constant 17 : index
    %swap3A_227 = arith.constant 0 : index
    %swap3A_228 = arith.constant 0 : index
    %swap3A_229 = vector.load %arg3[%swap3A_225, %swap3A_226, %swap3A_227, %swap3A_228] : memref<1x64x32x128xf32, #tpu.memory_space<vmem>>, vector<1x1x32x128xf32>
    %swap3A_230 = vector.shape_cast %swap3A_229 : vector<1x1x32x128xf32> to vector<32x128xf32>
    %swap3A_231 = vector.shape_cast %get3A_224 : vector<32x128xf32> to vector<1x1x32x128xf32>
    tpu.vector_store %arg3[%swap3A_225, %swap3A_226, %swap3A_227, %swap3A_228], %swap3A_231 {strides = array<i32>} : memref<1x64x32x128xf32, #tpu.memory_space<vmem>>, vector<1x1x32x128xf32>,
    %get3A_232 = arith.constant 0 : index
    %get3A_233 = arith.constant 45 : index
    %get3A_234 = arith.constant 0 : index
    %get3A_235 = arith.constant 0 : index
    %get3A_236 = vector.load %arg2[%get3A_232, %get3A_233, %get3A_234, %get3A_235] : memref<1x64x32x128xf32, #tpu.memory_space<vmem>>, vector<1x1x32x128xf32>
    %get3A_237 = vector.shape_cast %get3A_236 : vector<1x1x32x128xf32> to vector<32x128xf32>
    %swap3A_238 = arith.constant 0 : index
    %swap3A_239 = arith.constant 18 : index
    %swap3A_240 = arith.constant 0 : index
    %swap3A_241 = arith.constant 0 : index
    %swap3A_242 = vector.load %arg3[%swap3A_238, %swap3A_239, %swap3A_240, %swap3A_241] : memref<1x64x32x128xf32, #tpu.memory_space<vmem>>, vector<1x1x32x128xf32>
    %swap3A_243 = vector.shape_cast %swap3A_242 : vector<1x1x32x128xf32> to vector<32x128xf32>
    %swap3A_244 = vector.shape_cast %get3A_237 : vector<32x128xf32> to vector<1x1x32x128xf32>
    tpu.vector_store %arg3[%swap3A_238, %swap3A_239, %swap3A_240, %swap3A_241], %swap3A_244 {strides = array<i32>} : memref<1x64x32x128xf32, #tpu.memory_space<vmem>>, vector<1x1x32x128xf32>,
    %get3A_245 = arith.constant 0 : index
    %get3A_246 = arith.constant 44 : index
    %get3A_247 = arith.constant 0 : index
    %get3A_248 = arith.constant 0 : index
    %get3A_249 = vector.load %arg2[%get3A_245, %get3A_246, %get3A_247, %get3A_248] : memref<1x64x32x128xf32, #tpu.memory_space<vmem>>, vector<1x1x32x128xf32>
    %get3A_250 = vector.shape_cast %get3A_249 : vector<1x1x32x128xf32> to vector<32x128xf32>
    %swap3A_251 = arith.constant 0 : index
    %swap3A_252 = arith.constant 19 : index
    %swap3A_253 = arith.constant 0 : index
    %swap3A_254 = arith.constant 0 : index
    %swap3A_255 = vector.load %arg3[%swap3A_251, %swap3A_252, %swap3A_253, %swap3A_254] : memref<1x64x32x128xf32, #tpu.memory_space<vmem>>, vector<1x1x32x128xf32>
    %swap3A_256 = vector.shape_cast %swap3A_255 : vector<1x1x32x128xf32> to vector<32x128xf32>
    %swap3A_257 = vector.shape_cast %get3A_250 : vector<32x128xf32> to vector<1x1x32x128xf32>
    tpu.vector_store %arg3[%swap3A_251, %swap3A_252, %swap3A_253, %swap3A_254], %swap3A_257 {strides = array<i32>} : memref<1x64x32x128xf32, #tpu.memory_space<vmem>>, vector<1x1x32x128xf32>,
    %get3A_258 = arith.constant 0 : index
    %get3A_259 = arith.constant 43 : index
    %get3A_260 = arith.constant 0 : index
    %get3A_261 = arith.constant 0 : index
    %get3A_262 = vector.load %arg2[%get3A_258, %get3A_259, %get3A_260, %get3A_261] : memref<1x64x32x128xf32, #tpu.memory_space<vmem>>, vector<1x1x32x128xf32>
    %get3A_263 = vector.shape_cast %get3A_262 : vector<1x1x32x128xf32> to vector<32x128xf32>
    %swap3A_264 = arith.constant 0 : index
    %swap3A_265 = arith.constant 20 : index
    %swap3A_266 = arith.constant 0 : index
    %swap3A_267 = arith.constant 0 : index
    %swap3A_268 = vector.load %arg3[%swap3A_264, %swap3A_265, %swap3A_266, %swap3A_267] : memref<1x64x32x128xf32, #tpu.memory_space<vmem>>, vector<1x1x32x128xf32>
    %swap3A_269 = vector.shape_cast %swap3A_268 : vector<1x1x32x128xf32> to vector<32x128xf32>
    %swap3A_270 = vector.shape_cast %get3A_263 : vector<32x128xf32> to vector<1x1x32x128xf32>
    tpu.vector_store %arg3[%swap3A_264, %swap3A_265, %swap3A_266, %swap3A_267], %swap3A_270 {strides = array<i32>} : memref<1x64x32x128xf32, #tpu.memory_space<vmem>>, vector<1x1x32x128xf32>,
    %get3A_271 = arith.constant 0 : index
    %get3A_272 = arith.constant 42 : index
    %get3A_273 = arith.constant 0 : index
    %get3A_274 = arith.constant 0 : index
    %get3A_275 = vector.load %arg2[%get3A_271, %get3A_272, %get3A_273, %get3A_274] : memref<1x64x32x128xf32, #tpu.memory_space<vmem>>, vector<1x1x32x128xf32>
    %get3A_276 = vector.shape_cast %get3A_275 : vector<1x1x32x128xf32> to vector<32x128xf32>
    %swap3A_277 = arith.constant 0 : index
    %swap3A_278 = arith.constant 21 : index
    %swap3A_279 = arith.constant 0 : index
    %swap3A_280 = arith.constant 0 : index
    %swap3A_281 = vector.load %arg3[%swap3A_277, %swap3A_278, %swap3A_279, %swap3A_280] : memref<1x64x32x128xf32, #tpu.memory_space<vmem>>, vector<1x1x32x128xf32>
    %swap3A_282 = vector.shape_cast %swap3A_281 : vector<1x1x32x128xf32> to vector<32x128xf32>
    %swap3A_283 = vector.shape_cast %get3A_276 : vector<32x128xf32> to vector<1x1x32x128xf32>
    tpu.vector_store %arg3[%swap3A_277, %swap3A_278, %swap3A_279, %swap3A_280], %swap3A_283 {strides = array<i32>} : memref<1x64x32x128xf32, #tpu.memory_space<vmem>>, vector<1x1x32x128xf32>,
    %get3A_284 = arith.constant 0 : index
    %get3A_285 = arith.constant 41 : index
    %get3A_286 = arith.constant 0 : index
    %get3A_287 = arith.constant 0 : index
    %get3A_288 = vector.load %arg2[%get3A_284, %get3A_285, %get3A_286, %get3A_287] : memref<1x64x32x128xf32, #tpu.memory_space<vmem>>, vector<1x1x32x128xf32>
    %get3A_289 = vector.shape_cast %get3A_288 : vector<1x1x32x128xf32> to vector<32x128xf32>
    %swap3A_290 = arith.constant 0 : index
    %swap3A_291 = arith.constant 22 : index
    %swap3A_292 = arith.constant 0 : index
    %swap3A_293 = arith.constant 0 : index
    %swap3A_294 = vector.load %arg3[%swap3A_290, %swap3A_291, %swap3A_292, %swap3A_293] : memref<1x64x32x128xf32, #tpu.memory_space<vmem>>, vector<1x1x32x128xf32>
    %swap3A_295 = vector.shape_cast %swap3A_294 : vector<1x1x32x128xf32> to vector<32x128xf32>
    %swap3A_296 = vector.shape_cast %get3A_289 : vector<32x128xf32> to vector<1x1x32x128xf32>
    tpu.vector_store %arg3[%swap3A_290, %swap3A_291, %swap3A_292, %swap3A_293], %swap3A_296 {strides = array<i32>} : memref<1x64x32x128xf32, #tpu.memory_space<vmem>>, vector<1x1x32x128xf32>,
    %get3A_297 = arith.constant 0 : index
    %get3A_298 = arith.constant 40 : index
    %get3A_299 = arith.constant 0 : index
    %get3A_300 = arith.constant 0 : index
    %get3A_301 = vector.load %arg2[%get3A_297, %get3A_298, %get3A_299, %get3A_300] : memref<1x64x32x128xf32, #tpu.memory_space<vmem>>, vector<1x1x32x128xf32>
    %get3A_302 = vector.shape_cast %get3A_301 : vector<1x1x32x128xf32> to vector<32x128xf32>
    %swap3A_303 = arith.constant 0 : index
    %swap3A_304 = arith.constant 23 : index
    %swap3A_305 = arith.constant 0 : index
    %swap3A_306 = arith.constant 0 : index
    %swap3A_307 = vector.load %arg3[%swap3A_303, %swap3A_304, %swap3A_305, %swap3A_306] : memref<1x64x32x128xf32, #tpu.memory_space<vmem>>, vector<1x1x32x128xf32>
    %swap3A_308 = vector.shape_cast %swap3A_307 : vector<1x1x32x128xf32> to vector<32x128xf32>
    %swap3A_309 = vector.shape_cast %get3A_302 : vector<32x128xf32> to vector<1x1x32x128xf32>
    tpu.vector_store %arg3[%swap3A_303, %swap3A_304, %swap3A_305, %swap3A_306], %swap3A_309 {strides = array<i32>} : memref<1x64x32x128xf32, #tpu.memory_space<vmem>>, vector<1x1x32x128xf32>,
    %get3A_310 = arith.constant 0 : index
    %get3A_311 = arith.constant 39 : index
    %get3A_312 = arith.constant 0 : index
    %get3A_313 = arith.constant 0 : index
    %get3A_314 = vector.load %arg2[%get3A_310, %get3A_311, %get3A_312, %get3A_313] : memref<1x64x32x128xf32, #tpu.memory_space<vmem>>, vector<1x1x32x128xf32>
    %get3A_315 = vector.shape_cast %get3A_314 : vector<1x1x32x128xf32> to vector<32x128xf32>
    %swap3A_316 = arith.constant 0 : index
    %swap3A_317 = arith.constant 24 : index
    %swap3A_318 = arith.constant 0 : index
    %swap3A_319 = arith.constant 0 : index
    %swap3A_320 = vector.load %arg3[%swap3A_316, %swap3A_317, %swap3A_318, %swap3A_319] : memref<1x64x32x128xf32, #tpu.memory_space<vmem>>, vector<1x1x32x128xf32>
    %swap3A_321 = vector.shape_cast %swap3A_320 : vector<1x1x32x128xf32> to vector<32x128xf32>
    %swap3A_322 = vector.shape_cast %get3A_315 : vector<32x128xf32> to vector<1x1x32x128xf32>
    tpu.vector_store %arg3[%swap3A_316, %swap3A_317, %swap3A_318, %swap3A_319], %swap3A_322 {strides = array<i32>} : memref<1x64x32x128xf32, #tpu.memory_space<vmem>>, vector<1x1x32x128xf32>,
    %get3A_323 = arith.constant 0 : index
    %get3A_324 = arith.constant 38 : index
    %get3A_325 = arith.constant 0 : index
    %get3A_326 = arith.constant 0 : index
    %get3A_327 = vector.load %arg2[%get3A_323, %get3A_324, %get3A_325, %get3A_326] : memref<1x64x32x128xf32, #tpu.memory_space<vmem>>, vector<1x1x32x128xf32>
    %get3A_328 = vector.shape_cast %get3A_327 : vector<1x1x32x128xf32> to vector<32x128xf32>
    %swap3A_329 = arith.constant 0 : index
    %swap3A_330 = arith.constant 25 : index
    %swap3A_331 = arith.constant 0 : index
    %swap3A_332 = arith.constant 0 : index
    %swap3A_333 = vector.load %arg3[%swap3A_329, %swap3A_330, %swap3A_331, %swap3A_332] : memref<1x64x32x128xf32, #tpu.memory_space<vmem>>, vector<1x1x32x128xf32>
    %swap3A_334 = vector.shape_cast %swap3A_333 : vector<1x1x32x128xf32> to vector<32x128xf32>
    %swap3A_335 = vector.shape_cast %get3A_328 : vector<32x128xf32> to vector<1x1x32x128xf32>
    tpu.vector_store %arg3[%swap3A_329, %swap3A_330, %swap3A_331, %swap3A_332], %swap3A_335 {strides = array<i32>} : memref<1x64x32x128xf32, #tpu.memory_space<vmem>>, vector<1x1x32x128xf32>,
    %get3A_336 = arith.constant 0 : index
    %get3A_337 = arith.constant 37 : index
    %get3A_338 = arith.constant 0 : index
    %get3A_339 = arith.constant 0 : index
    %get3A_340 = vector.load %arg2[%get3A_336, %get3A_337, %get3A_338, %get3A_339] : memref<1x64x32x128xf32, #tpu.memory_space<vmem>>, vector<1x1x32x128xf32>
    %get3A_341 = vector.shape_cast %get3A_340 : vector<1x1x32x128xf32> to vector<32x128xf32>
    %swap3A_342 = arith.constant 0 : index
    %swap3A_343 = arith.constant 26 : index
    %swap3A_344 = arith.constant 0 : index
    %swap3A_345 = arith.constant 0 : index
    %swap3A_346 = vector.load %arg3[%swap3A_342, %swap3A_343, %swap3A_344, %swap3A_345] : memref<1x64x32x128xf32, #tpu.memory_space<vmem>>, vector<1x1x32x128xf32>
    %swap3A_347 = vector.shape_cast %swap3A_346 : vector<1x1x32x128xf32> to vector<32x128xf32>
    %swap3A_348 = vector.shape_cast %get3A_341 : vector<32x128xf32> to vector<1x1x32x128xf32>
    tpu.vector_store %arg3[%swap3A_342, %swap3A_343, %swap3A_344, %swap3A_345], %swap3A_348 {strides = array<i32>} : memref<1x64x32x128xf32, #tpu.memory_space<vmem>>, vector<1x1x32x128xf32>,
    %get3A_349 = arith.constant 0 : index
    %get3A_350 = arith.constant 36 : index
    %get3A_351 = arith.constant 0 : index
    %get3A_352 = arith.constant 0 : index
    %get3A_353 = vector.load %arg2[%get3A_349, %get3A_350, %get3A_351, %get3A_352] : memref<1x64x32x128xf32, #tpu.memory_space<vmem>>, vector<1x1x32x128xf32>
    %get3A_354 = vector.shape_cast %get3A_353 : vector<1x1x32x128xf32> to vector<32x128xf32>
    %swap3A_355 = arith.constant 0 : index
    %swap3A_356 = arith.constant 27 : index
    %swap3A_357 = arith.constant 0 : index
    %swap3A_358 = arith.constant 0 : index
    %swap3A_359 = vector.load %arg3[%swap3A_355, %swap3A_356, %swap3A_357, %swap3A_358] : memref<1x64x32x128xf32, #tpu.memory_space<vmem>>, vector<1x1x32x128xf32>
    %swap3A_360 = vector.shape_cast %swap3A_359 : vector<1x1x32x128xf32> to vector<32x128xf32>
    %swap3A_361 = vector.shape_cast %get3A_354 : vector<32x128xf32> to vector<1x1x32x128xf32>
    tpu.vector_store %arg3[%swap3A_355, %swap3A_356, %swap3A_357, %swap3A_358], %swap3A_361 {strides = array<i32>} : memref<1x64x32x128xf32, #tpu.memory_space<vmem>>, vector<1x1x32x128xf32>,
    %get3A_362 = arith.constant 0 : index
    %get3A_363 = arith.constant 35 : index
    %get3A_364 = arith.constant 0 : index
    %get3A_365 = arith.constant 0 : index
    %get3A_366 = vector.load %arg2[%get3A_362, %get3A_363, %get3A_364, %get3A_365] : memref<1x64x32x128xf32, #tpu.memory_space<vmem>>, vector<1x1x32x128xf32>
    %get3A_367 = vector.shape_cast %get3A_366 : vector<1x1x32x128xf32> to vector<32x128xf32>
    %swap3A_368 = arith.constant 0 : index
    %swap3A_369 = arith.constant 28 : index
    %swap3A_370 = arith.constant 0 : index
    %swap3A_371 = arith.constant 0 : index
    %swap3A_372 = vector.load %arg3[%swap3A_368, %swap3A_369, %swap3A_370, %swap3A_371] : memref<1x64x32x128xf32, #tpu.memory_space<vmem>>, vector<1x1x32x128xf32>
    %swap3A_373 = vector.shape_cast %swap3A_372 : vector<1x1x32x128xf32> to vector<32x128xf32>
    %swap3A_374 = vector.shape_cast %get3A_367 : vector<32x128xf32> to vector<1x1x32x128xf32>
    tpu.vector_store %arg3[%swap3A_368, %swap3A_369, %swap3A_370, %swap3A_371], %swap3A_374 {strides = array<i32>} : memref<1x64x32x128xf32, #tpu.memory_space<vmem>>, vector<1x1x32x128xf32>,
    %get3A_375 = arith.constant 0 : index
    %get3A_376 = arith.constant 34 : index
    %get3A_377 = arith.constant 0 : index
    %get3A_378 = arith.constant 0 : index
    %get3A_379 = vector.load %arg2[%get3A_375, %get3A_376, %get3A_377, %get3A_378] : memref<1x64x32x128xf32, #tpu.memory_space<vmem>>, vector<1x1x32x128xf32>
    %get3A_380 = vector.shape_cast %get3A_379 : vector<1x1x32x128xf32> to vector<32x128xf32>
    %swap3A_381 = arith.constant 0 : index
    %swap3A_382 = arith.constant 29 : index
    %swap3A_383 = arith.constant 0 : index
    %swap3A_384 = arith.constant 0 : index
    %swap3A_385 = vector.load %arg3[%swap3A_381, %swap3A_382, %swap3A_383, %swap3A_384] : memref<1x64x32x128xf32, #tpu.memory_space<vmem>>, vector<1x1x32x128xf32>
    %swap3A_386 = vector.shape_cast %swap3A_385 : vector<1x1x32x128xf32> to vector<32x128xf32>
    %swap3A_387 = vector.shape_cast %get3A_380 : vector<32x128xf32> to vector<1x1x32x128xf32>
    tpu.vector_store %arg3[%swap3A_381, %swap3A_382, %swap3A_383, %swap3A_384], %swap3A_387 {strides = array<i32>} : memref<1x64x32x128xf32, #tpu.memory_space<vmem>>, vector<1x1x32x128xf32>,
    %get3A_388 = arith.constant 0 : index
    %get3A_389 = arith.constant 33 : index
    %get3A_390 = arith.constant 0 : index
    %get3A_391 = arith.constant 0 : index
    %get3A_392 = vector.load %arg2[%get3A_388, %get3A_389, %get3A_390, %get3A_391] : memref<1x64x32x128xf32, #tpu.memory_space<vmem>>, vector<1x1x32x128xf32>
    %get3A_393 = vector.shape_cast %get3A_392 : vector<1x1x32x128xf32> to vector<32x128xf32>
    %swap3A_394 = arith.constant 0 : index
    %swap3A_395 = arith.constant 30 : index
    %swap3A_396 = arith.constant 0 : index
    %swap3A_397 = arith.constant 0 : index
    %swap3A_398 = vector.load %arg3[%swap3A_394, %swap3A_395, %swap3A_396, %swap3A_397] : memref<1x64x32x128xf32, #tpu.memory_space<vmem>>, vector<1x1x32x128xf32>
    %swap3A_399 = vector.shape_cast %swap3A_398 : vector<1x1x32x128xf32> to vector<32x128xf32>
    %swap3A_400 = vector.shape_cast %get3A_393 : vector<32x128xf32> to vector<1x1x32x128xf32>
    tpu.vector_store %arg3[%swap3A_394, %swap3A_395, %swap3A_396, %swap3A_397], %swap3A_400 {strides = array<i32>} : memref<1x64x32x128xf32, #tpu.memory_space<vmem>>, vector<1x1x32x128xf32>,
    %get3A_401 = arith.constant 0 : index
    %get3A_402 = arith.constant 32 : index
    %get3A_403 = arith.constant 0 : index
    %get3A_404 = arith.constant 0 : index
    %get3A_405 = vector.load %arg2[%get3A_401, %get3A_402, %get3A_403, %get3A_404] : memref<1x64x32x128xf32, #tpu.memory_space<vmem>>, vector<1x1x32x128xf32>
    %get3A_406 = vector.shape_cast %get3A_405 : vector<1x1x32x128xf32> to vector<32x128xf32>
    %swap3A_407 = arith.constant 0 : index
    %swap3A_408 = arith.constant 31 : index
    %swap3A_409 = arith.constant 0 : index
    %swap3A_410 = arith.constant 0 : index
    %swap3A_411 = vector.load %arg3[%swap3A_407, %swap3A_408, %swap3A_409, %swap3A_410] : memref<1x64x32x128xf32, #tpu.memory_space<vmem>>, vector<1x1x32x128xf32>
    %swap3A_412 = vector.shape_cast %swap3A_411 : vector<1x1x32x128xf32> to vector<32x128xf32>
    %swap3A_413 = vector.shape_cast %get3A_406 : vector<32x128xf32> to vector<1x1x32x128xf32>
    tpu.vector_store %arg3[%swap3A_407, %swap3A_408, %swap3A_409, %swap3A_410], %swap3A_413 {strides = array<i32>} : memref<1x64x32x128xf32, #tpu.memory_space<vmem>>, vector<1x1x32x128xf32>,
    %get3A_414 = arith.constant 0 : index
    %get3A_415 = arith.constant 31 : index
    %get3A_416 = arith.constant 0 : index
    %get3A_417 = arith.constant 0 : index
    %get3A_418 = vector.load %arg2[%get3A_414, %get3A_415, %get3A_416, %get3A_417] : memref<1x64x32x128xf32, #tpu.memory_space<vmem>>, vector<1x1x32x128xf32>
    %get3A_419 = vector.shape_cast %get3A_418 : vector<1x1x32x128xf32> to vector<32x128xf32>
    %swap3A_420 = arith.constant 0 : index
    %swap3A_421 = arith.constant 32 : index
    %swap3A_422 = arith.constant 0 : index
    %swap3A_423 = arith.constant 0 : index
    %swap3A_424 = vector.load %arg3[%swap3A_420, %swap3A_421, %swap3A_422, %swap3A_423] : memref<1x64x32x128xf32, #tpu.memory_space<vmem>>, vector<1x1x32x128xf32>
    %swap3A_425 = vector.shape_cast %swap3A_424 : vector<1x1x32x128xf32> to vector<32x128xf32>
    %swap3A_426 = vector.shape_cast %get3A_419 : vector<32x128xf32> to vector<1x1x32x128xf32>
    tpu.vector_store %arg3[%swap3A_420, %swap3A_421, %swap3A_422, %swap3A_423], %swap3A_426 {strides = array<i32>} : memref<1x64x32x128xf32, #tpu.memory_space<vmem>>, vector<1x1x32x128xf32>,
    %get3A_427 = arith.constant 0 : index
    %get3A_428 = arith.constant 30 : index
    %get3A_429 = arith.constant 0 : index
    %get3A_430 = arith.constant 0 : index
    %get3A_431 = vector.load %arg2[%get3A_427, %get3A_428, %get3A_429, %get3A_430] : memref<1x64x32x128xf32, #tpu.memory_space<vmem>>, vector<1x1x32x128xf32>
    %get3A_432 = vector.shape_cast %get3A_431 : vector<1x1x32x128xf32> to vector<32x128xf32>
    %swap3A_433 = arith.constant 0 : index
    %swap3A_434 = arith.constant 33 : index
    %swap3A_435 = arith.constant 0 : index
    %swap3A_436 = arith.constant 0 : index
    %swap3A_437 = vector.load %arg3[%swap3A_433, %swap3A_434, %swap3A_435, %swap3A_436] : memref<1x64x32x128xf32, #tpu.memory_space<vmem>>, vector<1x1x32x128xf32>
    %swap3A_438 = vector.shape_cast %swap3A_437 : vector<1x1x32x128xf32> to vector<32x128xf32>
    %swap3A_439 = vector.shape_cast %get3A_432 : vector<32x128xf32> to vector<1x1x32x128xf32>
    tpu.vector_store %arg3[%swap3A_433, %swap3A_434, %swap3A_435, %swap3A_436], %swap3A_439 {strides = array<i32>} : memref<1x64x32x128xf32, #tpu.memory_space<vmem>>, vector<1x1x32x128xf32>,
    %get3A_440 = arith.constant 0 : index
    %get3A_441 = arith.constant 29 : index
    %get3A_442 = arith.constant 0 : index
    %get3A_443 = arith.constant 0 : index
    %get3A_444 = vector.load %arg2[%get3A_440, %get3A_441, %get3A_442, %get3A_443] : memref<1x64x32x128xf32, #tpu.memory_space<vmem>>, vector<1x1x32x128xf32>
    %get3A_445 = vector.shape_cast %get3A_444 : vector<1x1x32x128xf32> to vector<32x128xf32>
    %swap3A_446 = arith.constant 0 : index
    %swap3A_447 = arith.constant 34 : index
    %swap3A_448 = arith.constant 0 : index
    %swap3A_449 = arith.constant 0 : index
    %swap3A_450 = vector.load %arg3[%swap3A_446, %swap3A_447, %swap3A_448, %swap3A_449] : memref<1x64x32x128xf32, #tpu.memory_space<vmem>>, vector<1x1x32x128xf32>
    %swap3A_451 = vector.shape_cast %swap3A_450 : vector<1x1x32x128xf32> to vector<32x128xf32>
    %swap3A_452 = vector.shape_cast %get3A_445 : vector<32x128xf32> to vector<1x1x32x128xf32>
    tpu.vector_store %arg3[%swap3A_446, %swap3A_447, %swap3A_448, %swap3A_449], %swap3A_452 {strides = array<i32>} : memref<1x64x32x128xf32, #tpu.memory_space<vmem>>, vector<1x1x32x128xf32>,
    %get3A_453 = arith.constant 0 : index
    %get3A_454 = arith.constant 28 : index
    %get3A_455 = arith.constant 0 : index
    %get3A_456 = arith.constant 0 : index
    %get3A_457 = vector.load %arg2[%get3A_453, %get3A_454, %get3A_455, %get3A_456] : memref<1x64x32x128xf32, #tpu.memory_space<vmem>>, vector<1x1x32x128xf32>
    %get3A_458 = vector.shape_cast %get3A_457 : vector<1x1x32x128xf32> to vector<32x128xf32>
    %swap3A_459 = arith.constant 0 : index
    %swap3A_460 = arith.constant 35 : index
    %swap3A_461 = arith.constant 0 : index
    %swap3A_462 = arith.constant 0 : index
    %swap3A_463 = vector.load %arg3[%swap3A_459, %swap3A_460, %swap3A_461, %swap3A_462] : memref<1x64x32x128xf32, #tpu.memory_space<vmem>>, vector<1x1x32x128xf32>
    %swap3A_464 = vector.shape_cast %swap3A_463 : vector<1x1x32x128xf32> to vector<32x128xf32>
    %swap3A_465 = vector.shape_cast %get3A_458 : vector<32x128xf32> to vector<1x1x32x128xf32>
    tpu.vector_store %arg3[%swap3A_459, %swap3A_460, %swap3A_461, %swap3A_462], %swap3A_465 {strides = array<i32>} : memref<1x64x32x128xf32, #tpu.memory_space<vmem>>, vector<1x1x32x128xf32>,
    %get3A_466 = arith.constant 0 : index
    %get3A_467 = arith.constant 27 : index
    %get3A_468 = arith.constant 0 : index
    %get3A_469 = arith.constant 0 : index
    %get3A_470 = vector.load %arg2[%get3A_466, %get3A_467, %get3A_468, %get3A_469] : memref<1x64x32x128xf32, #tpu.memory_space<vmem>>, vector<1x1x32x128xf32>
    %get3A_471 = vector.shape_cast %get3A_470 : vector<1x1x32x128xf32> to vector<32x128xf32>
    %swap3A_472 = arith.constant 0 : index
    %swap3A_473 = arith.constant 36 : index
    %swap3A_474 = arith.constant 0 : index
    %swap3A_475 = arith.constant 0 : index
    %swap3A_476 = vector.load %arg3[%swap3A_472, %swap3A_473, %swap3A_474, %swap3A_475] : memref<1x64x32x128xf32, #tpu.memory_space<vmem>>, vector<1x1x32x128xf32>
    %swap3A_477 = vector.shape_cast %swap3A_476 : vector<1x1x32x128xf32> to vector<32x128xf32>
    %swap3A_478 = vector.shape_cast %get3A_471 : vector<32x128xf32> to vector<1x1x32x128xf32>
    tpu.vector_store %arg3[%swap3A_472, %swap3A_473, %swap3A_474, %swap3A_475], %swap3A_478 {strides = array<i32>} : memref<1x64x32x128xf32, #tpu.memory_space<vmem>>, vector<1x1x32x128xf32>,
    %get3A_479 = arith.constant 0 : index
    %get3A_480 = arith.constant 26 : index
    %get3A_481 = arith.constant 0 : index
    %get3A_482 = arith.constant 0 : index
    %get3A_483 = vector.load %arg2[%get3A_479, %get3A_480, %get3A_481, %get3A_482] : memref<1x64x32x128xf32, #tpu.memory_space<vmem>>, vector<1x1x32x128xf32>
    %get3A_484 = vector.shape_cast %get3A_483 : vector<1x1x32x128xf32> to vector<32x128xf32>
    %swap3A_485 = arith.constant 0 : index
    %swap3A_486 = arith.constant 37 : index
    %swap3A_487 = arith.constant 0 : index
    %swap3A_488 = arith.constant 0 : index
    %swap3A_489 = vector.load %arg3[%swap3A_485, %swap3A_486, %swap3A_487, %swap3A_488] : memref<1x64x32x128xf32, #tpu.memory_space<vmem>>, vector<1x1x32x128xf32>
    %swap3A_490 = vector.shape_cast %swap3A_489 : vector<1x1x32x128xf32> to vector<32x128xf32>
    %swap3A_491 = vector.shape_cast %get3A_484 : vector<32x128xf32> to vector<1x1x32x128xf32>
    tpu.vector_store %arg3[%swap3A_485, %swap3A_486, %swap3A_487, %swap3A_488], %swap3A_491 {strides = array<i32>} : memref<1x64x32x128xf32, #tpu.memory_space<vmem>>, vector<1x1x32x128xf32>,
    %get3A_492 = arith.constant 0 : index
    %get3A_493 = arith.constant 25 : index
    %get3A_494 = arith.constant 0 : index
    %get3A_495 = arith.constant 0 : index
    %get3A_496 = vector.load %arg2[%get3A_492, %get3A_493, %get3A_494, %get3A_495] : memref<1x64x32x128xf32, #tpu.memory_space<vmem>>, vector<1x1x32x128xf32>
    %get3A_497 = vector.shape_cast %get3A_496 : vector<1x1x32x128xf32> to vector<32x128xf32>
    %swap3A_498 = arith.constant 0 : index
    %swap3A_499 = arith.constant 38 : index
    %swap3A_500 = arith.constant 0 : index
    %swap3A_501 = arith.constant 0 : index
    %swap3A_502 = vector.load %arg3[%swap3A_498, %swap3A_499, %swap3A_500, %swap3A_501] : memref<1x64x32x128xf32, #tpu.memory_space<vmem>>, vector<1x1x32x128xf32>
    %swap3A_503 = vector.shape_cast %swap3A_502 : vector<1x1x32x128xf32> to vector<32x128xf32>
    %swap3A_504 = vector.shape_cast %get3A_497 : vector<32x128xf32> to vector<1x1x32x128xf32>
    tpu.vector_store %arg3[%swap3A_498, %swap3A_499, %swap3A_500, %swap3A_501], %swap3A_504 {strides = array<i32>} : memref<1x64x32x128xf32, #tpu.memory_space<vmem>>, vector<1x1x32x128xf32>,
    %get3A_505 = arith.constant 0 : index
    %get3A_506 = arith.constant 24 : index
    %get3A_507 = arith.constant 0 : index
    %get3A_508 = arith.constant 0 : index
    %get3A_509 = vector.load %arg2[%get3A_505, %get3A_506, %get3A_507, %get3A_508] : memref<1x64x32x128xf32, #tpu.memory_space<vmem>>, vector<1x1x32x128xf32>
    %get3A_510 = vector.shape_cast %get3A_509 : vector<1x1x32x128xf32> to vector<32x128xf32>
    %swap3A_511 = arith.constant 0 : index
    %swap3A_512 = arith.constant 39 : index
    %swap3A_513 = arith.constant 0 : index
    %swap3A_514 = arith.constant 0 : index
    %swap3A_515 = vector.load %arg3[%swap3A_511, %swap3A_512, %swap3A_513, %swap3A_514] : memref<1x64x32x128xf32, #tpu.memory_space<vmem>>, vector<1x1x32x128xf32>
    %swap3A_516 = vector.shape_cast %swap3A_515 : vector<1x1x32x128xf32> to vector<32x128xf32>
    %swap3A_517 = vector.shape_cast %get3A_510 : vector<32x128xf32> to vector<1x1x32x128xf32>
    tpu.vector_store %arg3[%swap3A_511, %swap3A_512, %swap3A_513, %swap3A_514], %swap3A_517 {strides = array<i32>} : memref<1x64x32x128xf32, #tpu.memory_space<vmem>>, vector<1x1x32x128xf32>,
    %get3A_518 = arith.constant 0 : index
    %get3A_519 = arith.constant 23 : index
    %get3A_520 = arith.constant 0 : index
    %get3A_521 = arith.constant 0 : index
    %get3A_522 = vector.load %arg2[%get3A_518, %get3A_519, %get3A_520, %get3A_521] : memref<1x64x32x128xf32, #tpu.memory_space<vmem>>, vector<1x1x32x128xf32>
    %get3A_523 = vector.shape_cast %get3A_522 : vector<1x1x32x128xf32> to vector<32x128xf32>
    %swap3A_524 = arith.constant 0 : index
    %swap3A_525 = arith.constant 40 : index
    %swap3A_526 = arith.constant 0 : index
    %swap3A_527 = arith.constant 0 : index
    %swap3A_528 = vector.load %arg3[%swap3A_524, %swap3A_525, %swap3A_526, %swap3A_527] : memref<1x64x32x128xf32, #tpu.memory_space<vmem>>, vector<1x1x32x128xf32>
    %swap3A_529 = vector.shape_cast %swap3A_528 : vector<1x1x32x128xf32> to vector<32x128xf32>
    %swap3A_530 = vector.shape_cast %get3A_523 : vector<32x128xf32> to vector<1x1x32x128xf32>
    tpu.vector_store %arg3[%swap3A_524, %swap3A_525, %swap3A_526, %swap3A_527], %swap3A_530 {strides = array<i32>} : memref<1x64x32x128xf32, #tpu.memory_space<vmem>>, vector<1x1x32x128xf32>,
    %get3A_531 = arith.constant 0 : index
    %get3A_532 = arith.constant 22 : index
    %get3A_533 = arith.constant 0 : index
    %get3A_534 = arith.constant 0 : index
    %get3A_535 = vector.load %arg2[%get3A_531, %get3A_532, %get3A_533, %get3A_534] : memref<1x64x32x128xf32, #tpu.memory_space<vmem>>, vector<1x1x32x128xf32>
    %get3A_536 = vector.shape_cast %get3A_535 : vector<1x1x32x128xf32> to vector<32x128xf32>
    %swap3A_537 = arith.constant 0 : index
    %swap3A_538 = arith.constant 41 : index
    %swap3A_539 = arith.constant 0 : index
    %swap3A_540 = arith.constant 0 : index
    %swap3A_541 = vector.load %arg3[%swap3A_537, %swap3A_538, %swap3A_539, %swap3A_540] : memref<1x64x32x128xf32, #tpu.memory_space<vmem>>, vector<1x1x32x128xf32>
    %swap3A_542 = vector.shape_cast %swap3A_541 : vector<1x1x32x128xf32> to vector<32x128xf32>
    %swap3A_543 = vector.shape_cast %get3A_536 : vector<32x128xf32> to vector<1x1x32x128xf32>
    tpu.vector_store %arg3[%swap3A_537, %swap3A_538, %swap3A_539, %swap3A_540], %swap3A_543 {strides = array<i32>} : memref<1x64x32x128xf32, #tpu.memory_space<vmem>>, vector<1x1x32x128xf32>,
    %get3A_544 = arith.constant 0 : index
    %get3A_545 = arith.constant 21 : index
    %get3A_546 = arith.constant 0 : index
    %get3A_547 = arith.constant 0 : index
    %get3A_548 = vector.load %arg2[%get3A_544, %get3A_545, %get3A_546, %get3A_547] : memref<1x64x32x128xf32, #tpu.memory_space<vmem>>, vector<1x1x32x128xf32>
    %get3A_549 = vector.shape_cast %get3A_548 : vector<1x1x32x128xf32> to vector<32x128xf32>
    %swap3A_550 = arith.constant 0 : index
    %swap3A_551 = arith.constant 42 : index
    %swap3A_552 = arith.constant 0 : index
    %swap3A_553 = arith.constant 0 : index
    %swap3A_554 = vector.load %arg3[%swap3A_550, %swap3A_551, %swap3A_552, %swap3A_553] : memref<1x64x32x128xf32, #tpu.memory_space<vmem>>, vector<1x1x32x128xf32>
    %swap3A_555 = vector.shape_cast %swap3A_554 : vector<1x1x32x128xf32> to vector<32x128xf32>
    %swap3A_556 = vector.shape_cast %get3A_549 : vector<32x128xf32> to vector<1x1x32x128xf32>
    tpu.vector_store %arg3[%swap3A_550, %swap3A_551, %swap3A_552, %swap3A_553], %swap3A_556 {strides = array<i32>} : memref<1x64x32x128xf32, #tpu.memory_space<vmem>>, vector<1x1x32x128xf32>,
    %get3A_557 = arith.constant 0 : index
    %get3A_558 = arith.constant 20 : index
    %get3A_559 = arith.constant 0 : index
    %get3A_560 = arith.constant 0 : index
    %get3A_561 = vector.load %arg2[%get3A_557, %get3A_558, %get3A_559, %get3A_560] : memref<1x64x32x128xf32, #tpu.memory_space<vmem>>, vector<1x1x32x128xf32>
    %get3A_562 = vector.shape_cast %get3A_561 : vector<1x1x32x128xf32> to vector<32x128xf32>
    %swap3A_563 = arith.constant 0 : index
    %swap3A_564 = arith.constant 43 : index
    %swap3A_565 = arith.constant 0 : index
    %swap3A_566 = arith.constant 0 : index
    %swap3A_567 = vector.load %arg3[%swap3A_563, %swap3A_564, %swap3A_565, %swap3A_566] : memref<1x64x32x128xf32, #tpu.memory_space<vmem>>, vector<1x1x32x128xf32>
    %swap3A_568 = vector.shape_cast %swap3A_567 : vector<1x1x32x128xf32> to vector<32x128xf32>
    %swap3A_569 = vector.shape_cast %get3A_562 : vector<32x128xf32> to vector<1x1x32x128xf32>
    tpu.vector_store %arg3[%swap3A_563, %swap3A_564, %swap3A_565, %swap3A_566], %swap3A_569 {strides = array<i32>} : memref<1x64x32x128xf32, #tpu.memory_space<vmem>>, vector<1x1x32x128xf32>,
    %get3A_570 = arith.constant 0 : index
    %get3A_571 = arith.constant 19 : index
    %get3A_572 = arith.constant 0 : index
    %get3A_573 = arith.constant 0 : index
    %get3A_574 = vector.load %arg2[%get3A_570, %get3A_571, %get3A_572, %get3A_573] : memref<1x64x32x128xf32, #tpu.memory_space<vmem>>, vector<1x1x32x128xf32>
    %get3A_575 = vector.shape_cast %get3A_574 : vector<1x1x32x128xf32> to vector<32x128xf32>
    %swap3A_576 = arith.constant 0 : index
    %swap3A_577 = arith.constant 44 : index
    %swap3A_578 = arith.constant 0 : index
    %swap3A_579 = arith.constant 0 : index
    %swap3A_580 = vector.load %arg3[%swap3A_576, %swap3A_577, %swap3A_578, %swap3A_579] : memref<1x64x32x128xf32, #tpu.memory_space<vmem>>, vector<1x1x32x128xf32>
    %swap3A_581 = vector.shape_cast %swap3A_580 : vector<1x1x32x128xf32> to vector<32x128xf32>
    %swap3A_582 = vector.shape_cast %get3A_575 : vector<32x128xf32> to vector<1x1x32x128xf32>
    tpu.vector_store %arg3[%swap3A_576, %swap3A_577, %swap3A_578, %swap3A_579], %swap3A_582 {strides = array<i32>} : memref<1x64x32x128xf32, #tpu.memory_space<vmem>>, vector<1x1x32x128xf32>,
    %get3A_583 = arith.constant 0 : index
    %get3A_584 = arith.constant 18 : index
    %get3A_585 = arith.constant 0 : index
    %get3A_586 = arith.constant 0 : index
    %get3A_587 = vector.load %arg2[%get3A_583, %get3A_584, %get3A_585, %get3A_586] : memref<1x64x32x128xf32, #tpu.memory_space<vmem>>, vector<1x1x32x128xf32>
    %get3A_588 = vector.shape_cast %get3A_587 : vector<1x1x32x128xf32> to vector<32x128xf32>
    %swap3A_589 = arith.constant 0 : index
    %swap3A_590 = arith.constant 45 : index
    %swap3A_591 = arith.constant 0 : index
    %swap3A_592 = arith.constant 0 : index
    %swap3A_593 = vector.load %arg3[%swap3A_589, %swap3A_590, %swap3A_591, %swap3A_592] : memref<1x64x32x128xf32, #tpu.memory_space<vmem>>, vector<1x1x32x128xf32>
    %swap3A_594 = vector.shape_cast %swap3A_593 : vector<1x1x32x128xf32> to vector<32x128xf32>
    %swap3A_595 = vector.shape_cast %get3A_588 : vector<32x128xf32> to vector<1x1x32x128xf32>
    tpu.vector_store %arg3[%swap3A_589, %swap3A_590, %swap3A_591, %swap3A_592], %swap3A_595 {strides = array<i32>} : memref<1x64x32x128xf32, #tpu.memory_space<vmem>>, vector<1x1x32x128xf32>,
    %get3A_596 = arith.constant 0 : index
    %get3A_597 = arith.constant 17 : index
    %get3A_598 = arith.constant 0 : index
    %get3A_599 = arith.constant 0 : index
    %get3A_600 = vector.load %arg2[%get3A_596, %get3A_597, %get3A_598, %get3A_599] : memref<1x64x32x128xf32, #tpu.memory_space<vmem>>, vector<1x1x32x128xf32>
    %get3A_601 = vector.shape_cast %get3A_600 : vector<1x1x32x128xf32> to vector<32x128xf32>
    %swap3A_602 = arith.constant 0 : index
    %swap3A_603 = arith.constant 46 : index
    %swap3A_604 = arith.constant 0 : index
    %swap3A_605 = arith.constant 0 : index
    %swap3A_606 = vector.load %arg3[%swap3A_602, %swap3A_603, %swap3A_604, %swap3A_605] : memref<1x64x32x128xf32, #tpu.memory_space<vmem>>, vector<1x1x32x128xf32>
    %swap3A_607 = vector.shape_cast %swap3A_606 : vector<1x1x32x128xf32> to vector<32x128xf32>
    %swap3A_608 = vector.shape_cast %get3A_601 : vector<32x128xf32> to vector<1x1x32x128xf32>
    tpu.vector_store %arg3[%swap3A_602, %swap3A_603, %swap3A_604, %swap3A_605], %swap3A_608 {strides = array<i32>} : memref<1x64x32x128xf32, #tpu.memory_space<vmem>>, vector<1x1x32x128xf32>,
    %get3A_609 = arith.constant 0 : index
    %get3A_610 = arith.constant 16 : index
    %get3A_611 = arith.constant 0 : index
    %get3A_612 = arith.constant 0 : index
    %get3A_613 = vector.load %arg2[%get3A_609, %get3A_610, %get3A_611, %get3A_612] : memref<1x64x32x128xf32, #tpu.memory_space<vmem>>, vector<1x1x32x128xf32>
    %get3A_614 = vector.shape_cast %get3A_613 : vector<1x1x32x128xf32> to vector<32x128xf32>
    %swap3A_615 = arith.constant 0 : index
    %swap3A_616 = arith.constant 47 : index
    %swap3A_617 = arith.constant 0 : index
    %swap3A_618 = arith.constant 0 : index
    %swap3A_619 = vector.load %arg3[%swap3A_615, %swap3A_616, %swap3A_617, %swap3A_618] : memref<1x64x32x128xf32, #tpu.memory_space<vmem>>, vector<1x1x32x128xf32>
    %swap3A_620 = vector.shape_cast %swap3A_619 : vector<1x1x32x128xf32> to vector<32x128xf32>
    %swap3A_621 = vector.shape_cast %get3A_614 : vector<32x128xf32> to vector<1x1x32x128xf32>
    tpu.vector_store %arg3[%swap3A_615, %swap3A_616, %swap3A_617, %swap3A_618], %swap3A_621 {strides = array<i32>} : memref<1x64x32x128xf32, #tpu.memory_space<vmem>>, vector<1x1x32x128xf32>,
    %get3A_622 = arith.constant 0 : index
    %get3A_623 = arith.constant 15 : index
    %get3A_624 = arith.constant 0 : index
    %get3A_625 = arith.constant 0 : index
    %get3A_626 = vector.load %arg2[%get3A_622, %get3A_623, %get3A_624, %get3A_625] : memref<1x64x32x128xf32, #tpu.memory_space<vmem>>, vector<1x1x32x128xf32>
    %get3A_627 = vector.shape_cast %get3A_626 : vector<1x1x32x128xf32> to vector<32x128xf32>
    %swap3A_628 = arith.constant 0 : index
    %swap3A_629 = arith.constant 48 : index
    %swap3A_630 = arith.constant 0 : index
    %swap3A_631 = arith.constant 0 : index
    %swap3A_632 = vector.load %arg3[%swap3A_628, %swap3A_629, %swap3A_630, %swap3A_631] : memref<1x64x32x128xf32, #tpu.memory_space<vmem>>, vector<1x1x32x128xf32>
    %swap3A_633 = vector.shape_cast %swap3A_632 : vector<1x1x32x128xf32> to vector<32x128xf32>
    %swap3A_634 = vector.shape_cast %get3A_627 : vector<32x128xf32> to vector<1x1x32x128xf32>
    tpu.vector_store %arg3[%swap3A_628, %swap3A_629, %swap3A_630, %swap3A_631], %swap3A_634 {strides = array<i32>} : memref<1x64x32x128xf32, #tpu.memory_space<vmem>>, vector<1x1x32x128xf32>,
    %get3A_635 = arith.constant 0 : index
    %get3A_636 = arith.constant 14 : index
    %get3A_637 = arith.constant 0 : index
    %get3A_638 = arith.constant 0 : index
    %get3A_639 = vector.load %arg2[%get3A_635, %get3A_636, %get3A_637, %get3A_638] : memref<1x64x32x128xf32, #tpu.memory_space<vmem>>, vector<1x1x32x128xf32>
    %get3A_640 = vector.shape_cast %get3A_639 : vector<1x1x32x128xf32> to vector<32x128xf32>
    %swap3A_641 = arith.constant 0 : index
    %swap3A_642 = arith.constant 49 : index
    %swap3A_643 = arith.constant 0 : index
    %swap3A_644 = arith.constant 0 : index
    %swap3A_645 = vector.load %arg3[%swap3A_641, %swap3A_642, %swap3A_643, %swap3A_644] : memref<1x64x32x128xf32, #tpu.memory_space<vmem>>, vector<1x1x32x128xf32>
    %swap3A_646 = vector.shape_cast %swap3A_645 : vector<1x1x32x128xf32> to vector<32x128xf32>
    %swap3A_647 = vector.shape_cast %get3A_640 : vector<32x128xf32> to vector<1x1x32x128xf32>
    tpu.vector_store %arg3[%swap3A_641, %swap3A_642, %swap3A_643, %swap3A_644], %swap3A_647 {strides = array<i32>} : memref<1x64x32x128xf32, #tpu.memory_space<vmem>>, vector<1x1x32x128xf32>,
    %get3A_648 = arith.constant 0 : index
    %get3A_649 = arith.constant 13 : index
    %get3A_650 = arith.constant 0 : index
    %get3A_651 = arith.constant 0 : index
    %get3A_652 = vector.load %arg2[%get3A_648, %get3A_649, %get3A_650, %get3A_651] : memref<1x64x32x128xf32, #tpu.memory_space<vmem>>, vector<1x1x32x128xf32>
    %get3A_653 = vector.shape_cast %get3A_652 : vector<1x1x32x128xf32> to vector<32x128xf32>
    %swap3A_654 = arith.constant 0 : index
    %swap3A_655 = arith.constant 50 : index
    %swap3A_656 = arith.constant 0 : index
    %swap3A_657 = arith.constant 0 : index
    %swap3A_658 = vector.load %arg3[%swap3A_654, %swap3A_655, %swap3A_656, %swap3A_657] : memref<1x64x32x128xf32, #tpu.memory_space<vmem>>, vector<1x1x32x128xf32>
    %swap3A_659 = vector.shape_cast %swap3A_658 : vector<1x1x32x128xf32> to vector<32x128xf32>
    %swap3A_660 = vector.shape_cast %get3A_653 : vector<32x128xf32> to vector<1x1x32x128xf32>
    tpu.vector_store %arg3[%swap3A_654, %swap3A_655, %swap3A_656, %swap3A_657], %swap3A_660 {strides = array<i32>} : memref<1x64x32x128xf32, #tpu.memory_space<vmem>>, vector<1x1x32x128xf32>,
    %get3A_661 = arith.constant 0 : index
    %get3A_662 = arith.constant 12 : index
    %get3A_663 = arith.constant 0 : index
    %get3A_664 = arith.constant 0 : index
    %get3A_665 = vector.load %arg2[%get3A_661, %get3A_662, %get3A_663, %get3A_664] : memref<1x64x32x128xf32, #tpu.memory_space<vmem>>, vector<1x1x32x128xf32>
    %get3A_666 = vector.shape_cast %get3A_665 : vector<1x1x32x128xf32> to vector<32x128xf32>
    %swap3A_667 = arith.constant 0 : index
    %swap3A_668 = arith.constant 51 : index
    %swap3A_669 = arith.constant 0 : index
    %swap3A_670 = arith.constant 0 : index
    %swap3A_671 = vector.load %arg3[%swap3A_667, %swap3A_668, %swap3A_669, %swap3A_670] : memref<1x64x32x128xf32, #tpu.memory_space<vmem>>, vector<1x1x32x128xf32>
    %swap3A_672 = vector.shape_cast %swap3A_671 : vector<1x1x32x128xf32> to vector<32x128xf32>
    %swap3A_673 = vector.shape_cast %get3A_666 : vector<32x128xf32> to vector<1x1x32x128xf32>
    tpu.vector_store %arg3[%swap3A_667, %swap3A_668, %swap3A_669, %swap3A_670], %swap3A_673 {strides = array<i32>} : memref<1x64x32x128xf32, #tpu.memory_space<vmem>>, vector<1x1x32x128xf32>,
    %get3A_674 = arith.constant 0 : index
    %get3A_675 = arith.constant 11 : index
    %get3A_676 = arith.constant 0 : index
    %get3A_677 = arith.constant 0 : index
    %get3A_678 = vector.load %arg2[%get3A_674, %get3A_675, %get3A_676, %get3A_677] : memref<1x64x32x128xf32, #tpu.memory_space<vmem>>, vector<1x1x32x128xf32>
    %get3A_679 = vector.shape_cast %get3A_678 : vector<1x1x32x128xf32> to vector<32x128xf32>
    %swap3A_680 = arith.constant 0 : index
    %swap3A_681 = arith.constant 52 : index
    %swap3A_682 = arith.constant 0 : index
    %swap3A_683 = arith.constant 0 : index
    %swap3A_684 = vector.load %arg3[%swap3A_680, %swap3A_681, %swap3A_682, %swap3A_683] : memref<1x64x32x128xf32, #tpu.memory_space<vmem>>, vector<1x1x32x128xf32>
    %swap3A_685 = vector.shape_cast %swap3A_684 : vector<1x1x32x128xf32> to vector<32x128xf32>
    %swap3A_686 = vector.shape_cast %get3A_679 : vector<32x128xf32> to vector<1x1x32x128xf32>
    tpu.vector_store %arg3[%swap3A_680, %swap3A_681, %swap3A_682, %swap3A_683], %swap3A_686 {strides = array<i32>} : memref<1x64x32x128xf32, #tpu.memory_space<vmem>>, vector<1x1x32x128xf32>,
    %get3A_687 = arith.constant 0 : index
    %get3A_688 = arith.constant 10 : index
    %get3A_689 = arith.constant 0 : index
    %get3A_690 = arith.constant 0 : index
    %get3A_691 = vector.load %arg2[%get3A_687, %get3A_688, %get3A_689, %get3A_690] : memref<1x64x32x128xf32, #tpu.memory_space<vmem>>, vector<1x1x32x128xf32>
    %get3A_692 = vector.shape_cast %get3A_691 : vector<1x1x32x128xf32> to vector<32x128xf32>
    %swap3A_693 = arith.constant 0 : index
    %swap3A_694 = arith.constant 53 : index
    %swap3A_695 = arith.constant 0 : index
    %swap3A_696 = arith.constant 0 : index
    %swap3A_697 = vector.load %arg3[%swap3A_693, %swap3A_694, %swap3A_695, %swap3A_696] : memref<1x64x32x128xf32, #tpu.memory_space<vmem>>, vector<1x1x32x128xf32>
    %swap3A_698 = vector.shape_cast %swap3A_697 : vector<1x1x32x128xf32> to vector<32x128xf32>
    %swap3A_699 = vector.shape_cast %get3A_692 : vector<32x128xf32> to vector<1x1x32x128xf32>
    tpu.vector_store %arg3[%swap3A_693, %swap3A_694, %swap3A_695, %swap3A_696], %swap3A_699 {strides = array<i32>} : memref<1x64x32x128xf32, #tpu.memory_space<vmem>>, vector<1x1x32x128xf32>,
    %get3A_700 = arith.constant 0 : index
    %get3A_701 = arith.constant 9 : index
    %get3A_702 = arith.constant 0 : index
    %get3A_703 = arith.constant 0 : index
    %get3A_704 = vector.load %arg2[%get3A_700, %get3A_701, %get3A_702, %get3A_703] : memref<1x64x32x128xf32, #tpu.memory_space<vmem>>, vector<1x1x32x128xf32>
    %get3A_705 = vector.shape_cast %get3A_704 : vector<1x1x32x128xf32> to vector<32x128xf32>
    %swap3A_706 = arith.constant 0 : index
    %swap3A_707 = arith.constant 54 : index
    %swap3A_708 = arith.constant 0 : index
    %swap3A_709 = arith.constant 0 : index
    %swap3A_710 = vector.load %arg3[%swap3A_706, %swap3A_707, %swap3A_708, %swap3A_709] : memref<1x64x32x128xf32, #tpu.memory_space<vmem>>, vector<1x1x32x128xf32>
    %swap3A_711 = vector.shape_cast %swap3A_710 : vector<1x1x32x128xf32> to vector<32x128xf32>
    %swap3A_712 = vector.shape_cast %get3A_705 : vector<32x128xf32> to vector<1x1x32x128xf32>
    tpu.vector_store %arg3[%swap3A_706, %swap3A_707, %swap3A_708, %swap3A_709], %swap3A_712 {strides = array<i32>} : memref<1x64x32x128xf32, #tpu.memory_space<vmem>>, vector<1x1x32x128xf32>,
    %get3A_713 = arith.constant 0 : index
    %get3A_714 = arith.constant 8 : index
    %get3A_715 = arith.constant 0 : index
    %get3A_716 = arith.constant 0 : index
    %get3A_717 = vector.load %arg2[%get3A_713, %get3A_714, %get3A_715, %get3A_716] : memref<1x64x32x128xf32, #tpu.memory_space<vmem>>, vector<1x1x32x128xf32>
    %get3A_718 = vector.shape_cast %get3A_717 : vector<1x1x32x128xf32> to vector<32x128xf32>
    %swap3A_719 = arith.constant 0 : index
    %swap3A_720 = arith.constant 55 : index
    %swap3A_721 = arith.constant 0 : index
    %swap3A_722 = arith.constant 0 : index
    %swap3A_723 = vector.load %arg3[%swap3A_719, %swap3A_720, %swap3A_721, %swap3A_722] : memref<1x64x32x128xf32, #tpu.memory_space<vmem>>, vector<1x1x32x128xf32>
    %swap3A_724 = vector.shape_cast %swap3A_723 : vector<1x1x32x128xf32> to vector<32x128xf32>
    %swap3A_725 = vector.shape_cast %get3A_718 : vector<32x128xf32> to vector<1x1x32x128xf32>
    tpu.vector_store %arg3[%swap3A_719, %swap3A_720, %swap3A_721, %swap3A_722], %swap3A_725 {strides = array<i32>} : memref<1x64x32x128xf32, #tpu.memory_space<vmem>>, vector<1x1x32x128xf32>,
    %get3A_726 = arith.constant 0 : index
    %get3A_727 = arith.constant 7 : index
    %get3A_728 = arith.constant 0 : index
    %get3A_729 = arith.constant 0 : index
    %get3A_730 = vector.load %arg2[%get3A_726, %get3A_727, %get3A_728, %get3A_729] : memref<1x64x32x128xf32, #tpu.memory_space<vmem>>, vector<1x1x32x128xf32>
    %get3A_731 = vector.shape_cast %get3A_730 : vector<1x1x32x128xf32> to vector<32x128xf32>
    %swap3A_732 = arith.constant 0 : index
    %swap3A_733 = arith.constant 56 : index
    %swap3A_734 = arith.constant 0 : index
    %swap3A_735 = arith.constant 0 : index
    %swap3A_736 = vector.load %arg3[%swap3A_732, %swap3A_733, %swap3A_734, %swap3A_735] : memref<1x64x32x128xf32, #tpu.memory_space<vmem>>, vector<1x1x32x128xf32>
    %swap3A_737 = vector.shape_cast %swap3A_736 : vector<1x1x32x128xf32> to vector<32x128xf32>
    %swap3A_738 = vector.shape_cast %get3A_731 : vector<32x128xf32> to vector<1x1x32x128xf32>
    tpu.vector_store %arg3[%swap3A_732, %swap3A_733, %swap3A_734, %swap3A_735], %swap3A_738 {strides = array<i32>} : memref<1x64x32x128xf32, #tpu.memory_space<vmem>>, vector<1x1x32x128xf32>,
    %get3A_739 = arith.constant 0 : index
    %get3A_740 = arith.constant 6 : index
    %get3A_741 = arith.constant 0 : index
    %get3A_742 = arith.constant 0 : index
    %get3A_743 = vector.load %arg2[%get3A_739, %get3A_740, %get3A_741, %get3A_742] : memref<1x64x32x128xf32, #tpu.memory_space<vmem>>, vector<1x1x32x128xf32>
    %get3A_744 = vector.shape_cast %get3A_743 : vector<1x1x32x128xf32> to vector<32x128xf32>
    %swap3A_745 = arith.constant 0 : index
    %swap3A_746 = arith.constant 57 : index
    %swap3A_747 = arith.constant 0 : index
    %swap3A_748 = arith.constant 0 : index
    %swap3A_749 = vector.load %arg3[%swap3A_745, %swap3A_746, %swap3A_747, %swap3A_748] : memref<1x64x32x128xf32, #tpu.memory_space<vmem>>, vector<1x1x32x128xf32>
    %swap3A_750 = vector.shape_cast %swap3A_749 : vector<1x1x32x128xf32> to vector<32x128xf32>
    %swap3A_751 = vector.shape_cast %get3A_744 : vector<32x128xf32> to vector<1x1x32x128xf32>
    tpu.vector_store %arg3[%swap3A_745, %swap3A_746, %swap3A_747, %swap3A_748], %swap3A_751 {strides = array<i32>} : memref<1x64x32x128xf32, #tpu.memory_space<vmem>>, vector<1x1x32x128xf32>,
    %get3A_752 = arith.constant 0 : index
    %get3A_753 = arith.constant 5 : index
    %get3A_754 = arith.constant 0 : index
    %get3A_755 = arith.constant 0 : index
    %get3A_756 = vector.load %arg2[%get3A_752, %get3A_753, %get3A_754, %get3A_755] : memref<1x64x32x128xf32, #tpu.memory_space<vmem>>, vector<1x1x32x128xf32>
    %get3A_757 = vector.shape_cast %get3A_756 : vector<1x1x32x128xf32> to vector<32x128xf32>
    %swap3A_758 = arith.constant 0 : index
    %swap3A_759 = arith.constant 58 : index
    %swap3A_760 = arith.constant 0 : index
    %swap3A_761 = arith.constant 0 : index
    %swap3A_762 = vector.load %arg3[%swap3A_758, %swap3A_759, %swap3A_760, %swap3A_761] : memref<1x64x32x128xf32, #tpu.memory_space<vmem>>, vector<1x1x32x128xf32>
    %swap3A_763 = vector.shape_cast %swap3A_762 : vector<1x1x32x128xf32> to vector<32x128xf32>
    %swap3A_764 = vector.shape_cast %get3A_757 : vector<32x128xf32> to vector<1x1x32x128xf32>
    tpu.vector_store %arg3[%swap3A_758, %swap3A_759, %swap3A_760, %swap3A_761], %swap3A_764 {strides = array<i32>} : memref<1x64x32x128xf32, #tpu.memory_space<vmem>>, vector<1x1x32x128xf32>,
    %get3A_765 = arith.constant 0 : index
    %get3A_766 = arith.constant 4 : index
    %get3A_767 = arith.constant 0 : index
    %get3A_768 = arith.constant 0 : index
    %get3A_769 = vector.load %arg2[%get3A_765, %get3A_766, %get3A_767, %get3A_768] : memref<1x64x32x128xf32, #tpu.memory_space<vmem>>, vector<1x1x32x128xf32>
    %get3A_770 = vector.shape_cast %get3A_769 : vector<1x1x32x128xf32> to vector<32x128xf32>
    %swap3A_771 = arith.constant 0 : index
    %swap3A_772 = arith.constant 59 : index
    %swap3A_773 = arith.constant 0 : index
    %swap3A_774 = arith.constant 0 : index
    %swap3A_775 = vector.load %arg3[%swap3A_771, %swap3A_772, %swap3A_773, %swap3A_774] : memref<1x64x32x128xf32, #tpu.memory_space<vmem>>, vector<1x1x32x128xf32>
    %swap3A_776 = vector.shape_cast %swap3A_775 : vector<1x1x32x128xf32> to vector<32x128xf32>
    %swap3A_777 = vector.shape_cast %get3A_770 : vector<32x128xf32> to vector<1x1x32x128xf32>
    tpu.vector_store %arg3[%swap3A_771, %swap3A_772, %swap3A_773, %swap3A_774], %swap3A_777 {strides = array<i32>} : memref<1x64x32x128xf32, #tpu.memory_space<vmem>>, vector<1x1x32x128xf32>,
    %get3A_778 = arith.constant 0 : index
    %get3A_779 = arith.constant 3 : index
    %get3A_780 = arith.constant 0 : index
    %get3A_781 = arith.constant 0 : index
    %get3A_782 = vector.load %arg2[%get3A_778, %get3A_779, %get3A_780, %get3A_781] : memref<1x64x32x128xf32, #tpu.memory_space<vmem>>, vector<1x1x32x128xf32>
    %get3A_783 = vector.shape_cast %get3A_782 : vector<1x1x32x128xf32> to vector<32x128xf32>
    %swap3A_784 = arith.constant 0 : index
    %swap3A_785 = arith.constant 60 : index
    %swap3A_786 = arith.constant 0 : index
    %swap3A_787 = arith.constant 0 : index
    %swap3A_788 = vector.load %arg3[%swap3A_784, %swap3A_785, %swap3A_786, %swap3A_787] : memref<1x64x32x128xf32, #tpu.memory_space<vmem>>, vector<1x1x32x128xf32>
    %swap3A_789 = vector.shape_cast %swap3A_788 : vector<1x1x32x128xf32> to vector<32x128xf32>
    %swap3A_790 = vector.shape_cast %get3A_783 : vector<32x128xf32> to vector<1x1x32x128xf32>
    tpu.vector_store %arg3[%swap3A_784, %swap3A_785, %swap3A_786, %swap3A_787], %swap3A_790 {strides = array<i32>} : memref<1x64x32x128xf32, #tpu.memory_space<vmem>>, vector<1x1x32x128xf32>,
    %get3A_791 = arith.constant 0 : index
    %get3A_792 = arith.constant 2 : index
    %get3A_793 = arith.constant 0 : index
    %get3A_794 = arith.constant 0 : index
    %get3A_795 = vector.load %arg2[%get3A_791, %get3A_792, %get3A_793, %get3A_794] : memref<1x64x32x128xf32, #tpu.memory_space<vmem>>, vector<1x1x32x128xf32>
    %get3A_796 = vector.shape_cast %get3A_795 : vector<1x1x32x128xf32> to vector<32x128xf32>
    %swap3A_797 = arith.constant 0 : index
    %swap3A_798 = arith.constant 61 : index
    %swap3A_799 = arith.constant 0 : index
    %swap3A_800 = arith.constant 0 : index
    %swap3A_801 = vector.load %arg3[%swap3A_797, %swap3A_798, %swap3A_799, %swap3A_800] : memref<1x64x32x128xf32, #tpu.memory_space<vmem>>, vector<1x1x32x128xf32>
    %swap3A_802 = vector.shape_cast %swap3A_801 : vector<1x1x32x128xf32> to vector<32x128xf32>
    %swap3A_803 = vector.shape_cast %get3A_796 : vector<32x128xf32> to vector<1x1x32x128xf32>
    tpu.vector_store %arg3[%swap3A_797, %swap3A_798, %swap3A_799, %swap3A_800], %swap3A_803 {strides = array<i32>} : memref<1x64x32x128xf32, #tpu.memory_space<vmem>>, vector<1x1x32x128xf32>,
    %get3A_804 = arith.constant 0 : index
    %get3A_805 = arith.constant 1 : index
    %get3A_806 = arith.constant 0 : index
    %get3A_807 = arith.constant 0 : index
    %get3A_808 = vector.load %arg2[%get3A_804, %get3A_805, %get3A_806, %get3A_807] : memref<1x64x32x128xf32, #tpu.memory_space<vmem>>, vector<1x1x32x128xf32>
    %get3A_809 = vector.shape_cast %get3A_808 : vector<1x1x32x128xf32> to vector<32x128xf32>
    %swap3A_810 = arith.constant 0 : index
    %swap3A_811 = arith.constant 62 : index
    %swap3A_812 = arith.constant 0 : index
    %swap3A_813 = arith.constant 0 : index
    %swap3A_814 = vector.load %arg3[%swap3A_810, %swap3A_811, %swap3A_812, %swap3A_813] : memref<1x64x32x128xf32, #tpu.memory_space<vmem>>, vector<1x1x32x128xf32>
    %swap3A_815 = vector.shape_cast %swap3A_814 : vector<1x1x32x128xf32> to vector<32x128xf32>
    %swap3A_816 = vector.shape_cast %get3A_809 : vector<32x128xf32> to vector<1x1x32x128xf32>
    tpu.vector_store %arg3[%swap3A_810, %swap3A_811, %swap3A_812, %swap3A_813], %swap3A_816 {strides = array<i32>} : memref<1x64x32x128xf32, #tpu.memory_space<vmem>>, vector<1x1x32x128xf32>,
    %get3A_817 = arith.constant 0 : index
    %get3A_818 = arith.constant 0 : index
    %get3A_819 = arith.constant 0 : index
    %get3A_820 = arith.constant 0 : index
    %get3A_821 = vector.load %arg2[%get3A_817, %get3A_818, %get3A_819, %get3A_820] : memref<1x64x32x128xf32, #tpu.memory_space<vmem>>, vector<1x1x32x128xf32>
    %get3A_822 = vector.shape_cast %get3A_821 : vector<1x1x32x128xf32> to vector<32x128xf32>
    %swap3A_823 = arith.constant 0 : index
    %swap3A_824 = arith.constant 63 : index
    %swap3A_825 = arith.constant 0 : index
    %swap3A_826 = arith.constant 0 : index
    %swap3A_827 = vector.load %arg3[%swap3A_823, %swap3A_824, %swap3A_825, %swap3A_826] : memref<1x64x32x128xf32, #tpu.memory_space<vmem>>, vector<1x1x32x128xf32>
    %swap3A_828 = vector.shape_cast %swap3A_827 : vector<1x1x32x128xf32> to vector<32x128xf32>
    %swap3A_829 = vector.shape_cast %get3A_822 : vector<32x128xf32> to vector<1x1x32x128xf32>
    tpu.vector_store %arg3[%swap3A_823, %swap3A_824, %swap3A_825, %swap3A_826], %swap3A_829 {strides = array<i32>} : memref<1x64x32x128xf32, #tpu.memory_space<vmem>>, vector<1x1x32x128xf32>,
    return
  }
  func.func @transform_0(%arg0: i32, %arg1: i32) -> (i32, i32, i32, i32) {
    %sub3A = arith.constant 7 : i32
    %sub3A_0 = arith.subi %sub3A, %arg1 : i32
    %c0_i32 = arith.constant 0 : i32
    %c0_i32_1 = arith.constant 0 : i32
    %c0_i32_2 = arith.constant 0 : i32
    return %arg0, %sub3A_0, %c0_i32, %c0_i32_1 : i32, i32, i32, i32
  }
  func.func @transform_1(%arg0: i32, %arg1: i32) -> (i32, i32, i32, i32) {
    %c0_i32 = arith.constant 0 : i32
    %c0_i32_0 = arith.constant 0 : i32
    %c0_i32_1 = arith.constant 0 : i32
    return %arg0, %arg1, %c0_i32, %c0_i32_0 : i32, i32, i32, i32
  }
}

</mosaic_0001>

<sc_bundles>
// kernel: sparse-core-data-format-call.cloned.1.call-start
scs
called_computation_lowered:
.L_overlay_start_0:
0x0: {  	s2 =	sld [smem:$0x3FD9]  }
0x1: {  	s3 =	sld [smem:$0x3FFE];
	_ =	sdelay $0x1  }
0x2: {  	s1 =	srdreg.scid  }
0x3: {  	s0 =	sand.u32 $0x1, s1  }
0x4: {  	s16 =	sshll.u32 s0, $0xA;
	s2 =	sadd.s32 s3, s2  }
0x5: {  	s2 =	sadd.s32 s2, s16  }
0x6: {  	[smem:$0x3FC7] =	sst s2  }
0x7: {  	_ = 	snop  }
0x8: {  	s2 =	sld [smem:$0x3FD0];
	_ =	sdelay $0x2  }
0x9: {  	s4 =	simm.s32 $0xA;
	s5 =	simm.s32 $0x10;
	s17 =	sld [smem:$0x3FC9]  }
0xa: {  	[smem:s5], [sflag:s4] =	dma.local [hbm:s2], $0x1  }
0xb: {  	_ =	swait.eq [sflag:s4], $0x1  }
0xc: {  	[sflag:s4] =	ssyncset.done $0x0  }
0xd: {  	[sflag:s4] =	ssyncadd.s32 $0xFFFFFFFF  }
0xe: {  	s18 =	sld [smem:$0x10];
	(tm) =	ssettm $0x1  }
0xf: {  	s19 =	sld [smem:$0x3FFB];
	_ =	sdelay $0x3  }
0x10: {  	_ =	strace s19  }
0x11: {  	s4 =	sld [smem:$0x3FFC];
	_ =	sdelay $0x3  }
0x12: {  	_ =	strace s4  }
0x13: {  	s4 =	sld [smem:$0x3FFD];
	_ =	sdelay $0x3  }
0x14: {  	_ =	strace s4  }
0x15: {  	_ =	strace $0x8FFFFFFF  }
0x16: {  	s20 =	sld [smem:$0x3FDB];
	_ =	sdelay $0x1  }
0x17: {  	s21 =	simm.s32 $_scs_section_size  }
0x18: {  	s6 =	simm.s32 $_size__tile_overlayer_lowered;
	s7 =	simm.s32 $_tile_overlayer_lowered  }
0x19: {  	s24 =	simm.s32 $0x1BFF;
	s23 =	sshll.u32 s7, $0x1;
	s4 =	sadd.s32 s21, s20  }
0x1a: {  	s8 =	simm.s32 $0x0;
	s22 =	sshll.u32 s6, $0x1;
	s6 =	sadd.s32 s23, s4  }
0x1b: {  	[timem:s8], [sflag:s24] =	dma.local [hbm:s6], s22  }
0x1c: {  	_ =	swait.ge [sflag:s24], s22  }
0x1d: {  	s5 =	ssub.s32 $0x0, s22;
	[sflag:s24] =	ssyncset.done $0x0  }
0x1e: {  	[sflag:s24] =	ssyncadd.s32 s5;
	_ =	sdelay $0x1  }
0x1f: {  	s25 =	simm.s32 $0x1B8B  }
0x20: {  	_ =	swait.ge [sflag:s25], $0x1  }
0x21: {  	[sflag:s25] =	ssyncset.done $0x0  }
0x22: {  	s26 =	simm.s32 $0x1B8E;
	[sflag:s25] =	ssyncadd.s32 $0xFFFFFFFF  }
0x23: {  	s27 =	simm.s32 $execute0_lowered;
	[smem:$0x3FD2] =	sst s26  }
0x24: {  	s5 =	sshll.u32 s27, $0x1;
	_ =	strace $0x80000046;
	[dreg:$0x1] =	wrdreg $0xFFFFFFFF  }
0x25: {  	s28 =	simm.s32 $_size_execute0_lowered;
	s4 =	sadd.s32 s4, s5;
	[dreg:$0x0] =	wrdreg $0x0  }
0x26: {  	s5 =	sshll.u32 s28, $0x1;
	[dreg:$0x2] =	wrdreg s4  }
0x27: {  	[dreg:$0x3] =	wrdreg s5  }
0x28: {  	[dreg:$0x4] =	wrdreg $0xC0  }
0x29: {  	_ =	task [dreg:s8], $0x5FFFF  }
0x2a: {  	[dreg:$0x1] =	wrdreg $0xFFFFFFFF  }
0x2b: {  	[dreg:$0x0] =	wrdreg $0x60  }
0x2c: {  	[dreg:$0x2] =	wrdreg s17  }
0x2d: {  	[dreg:$0x3] =	wrdreg s18  }
0x2e: {  	[dreg:$0x4] =	wrdreg $0x9  }
0x2f: {  	_ =	task.clear_ibuf [dreg:s8], $0x5FFFF;
	_ =	strace $0x90000046  }
0x30: {  	s29 =	simm.s32 $0x9;
	_ =	strace $0x80000048  }
0x31: {  	_ =	swait.ge [sflag:s29], $0x1  }
0x32: {  	[sflag:s29] =	ssyncadd.s32 $0xFFFFFFFF  }
0x33: {  	_ =	strace $0x90000048  }
0x34: {  	_ =	sfence  }
0x35: {  	s30 =	sld [smem:$0x0];
	_ =	sdelay $0x2  }
0x36: {  	s31 =	sshll.u32 s1, $0xD;
	s1 =	sshrl.u32 s1, $0x2  }
0x37: {  	s3 =	sand.u32 $0x4000, s31;
	s1 =	sadd.s32 s1, s30  }
0x38: {  	s0 =	sor.u32 s3, s0;
	s1 =	sshll.u32 s1, $0x11  }
0x39: {  	s0 =	sor.u32 s1, s0  }
0x3a: {  	s0 =	sadd.s32 $0x8F2B, s0  }
0x3b: {  	[sflag:s0] =	ssyncadd.remote.s32 $0x1  }
0x3c: {  	_ =	sfence.sel $0xFFFF  }
0x3d: {  	[dreg:$0x0] =	wrdreg $0xFFFFFFFF;
	(pc) =	sbr.abs _section_cstart, $3  }
0x3e: {  	[dreg:$0x1] =	wrdreg $0xFFFFFFFF  }
0x3f: {  	_ =	task.clear_ibuf [dreg:s8], $0x2FFFF;
	_ =	strace $0x9FFFFFFF  }
0x40: {  	(tm) =	ssettm $0x7FFFFFFF  }
0x41: {  	_ =	shalt  }
tec
execute0_lowered:
.L_overlay_start_1:
0x0: {  	(tag) =	ssettag $0x1  }
0x1: {  	s2 =	rddreg [dreg:$0x0]  }
0x2: {  	s3 =	rddreg [dreg:$0x1]  }
0x3: {  	s0 =	rddreg [dreg:$0x2];
	_ =	strace $0x80000047  }
0x4: {  	s4 =	srdreg.scid;
	s1 =	stileid.u32;
	s6 =	simm.s32 $0x2  }
.Ltmp0:
0x5: {  	s11 =	simm.s32 $0x0;
	p0 =	por $0x0, $0x0;
	(pc) =	sbr.rel .LBB1_1-.Ltmp0, $4  }
0x6: {  	s7 =	simm.s32 $0x1000;
	s12 =	simm.s32 $0x0;
	s5 =	sshll.u32 s4, $0x4  }
0x7: {  	s9 =	simm.s32 $0x0;
	s4 =	simm.s32 $0x1;
	s5 =	sand.u32 $0x10, s5  }
0x8: {  	s8 =	simm.s32 $0x0;
	[sflag:s4] =	ssyncpa.u1 $0x0;
	s5 =	sor.u32 s1, s5  }
0x9: {  	[sflag:s6] =	ssyncpa.u1 $0x0;
	s6 =	simm.s32 $0x800;
	s10 =	smov.u32 s5  }
.LBB1_7:
0xa: {  	s13 =	sadd.s32 $0x10, s9  }
0xb: {  	s11 =	sadd.s32 $0x20, s10;
	s15 =	smov.u32 s10;
	p2 =	sgt.s32 s13, $0x1F  }
0xc: {  	p1 =	slt.u32 s8, $0x2;
	s15 =	smov.u32 @p2 s11  }
0xd: {  	s8 =	sadd.s32 $0x1, s8;
	s13 =	simm.s32 @p2 $0x0;
	p2 =	sgt.s32 s15, $0x3FF  }
0xe: {  	s15 =	smov.u32 @p2 s5;
	p2 =	sne.s32 s8, $0x42  }
.Ltmp1:
0xf: {  	_ = 	snop;
	(pc) =	sbr.rel @!p2 .LBB1_8-.Ltmp1, $4  }
0x10: {  	s14 =	simm.s32 @!p1 $0x2  }
0x11: {  	s12 =	smov.u32 s10;
	_ =	swait.ge @!p1 [sflag:s14], $0x4000  }
0x12: {  	p0 =	por !p0, !p0;
	s11 =	smov.u32 s9;
	[sflag:s14] =	ssyncset.done @!p1 $0x0  }
0x13: {  	s9 =	smov.u32 s13;
	[sflag:s14] =	ssyncadd.s32 @!p1 $0xFFFFC000;
	s10 =	smov.u32 s15  }
.LBB1_1:
0x14: {  	p1 =	sgt.u32 s8, $0x3F  }
0x15: {  	s13 =	sxor.u32 @!p1 $0xFFFFFFFF, s8;
	s14 =	sshll.u32 @!p1 s10, $0xC  }
0x16: {  	s15 =	sshll.u32 @!p1 s9, $0x7;
	s13 =	sshll.u32 @!p1 s13, $0xE;
	s14 =	sadd.s32 @!p1 s2, s14  }
0x17: {  	s13 =	sand.u32 @!p1 $0x4000, s13;
	s14 =	sadd.s32 @!p1 s15, s14;
	s15 =	simm.s32 @!p1 $0x0  }
0x18: {  	[tilespmem:s13], [sflag:$0x1] =	stream.linear.gather @!p1 [hbm4b:s14+s15], $0x4000, $0x38;
	[tilespmem:$0x10000] =	vst v63  }
0x19: {  	p1 =	seq.s32 s8, $0x0  }
0x1a: {  	p2 =	seq.s32 @!p1 s8, $0x41  }
0x1b: {  	p1 =	por p1, p2  }
.Ltmp2:
0x1c: {  	_ = 	snop;
	(pc) =	sbr.rel @p1 .LBB1_7-.Ltmp2, $1  }
0x1d: {  	_ =	sdelay $0x3  }
0x1e: {  	s13 =	simm.s32 $0x1;
	_ =	swait.ge [sflag:s4], $0x4000;
	s16 =	sshll.u32 s8, $0xE  }
0x1f: {  	s13 =	simm.s32 @!p0 $0x0;
	[sflag:s4] =	ssyncset.done $0x0;
	s31 =	sand.u32 $0x4000, s16  }
0x20: {  	s16 =	simm.s32 $0x0;
	s14 =	sshll.u32 s13, $0xE;
	[sflag:s4] =	ssyncadd.s32 $0xFFFFC000  }
0x21: {  	s13 =	sor.u32 $0x8040, s14;
	s15 =	sor.u32 $0x40, s14;
	s14 =	sor.u32 $0x8000, s31  }
.LBB1_3:
0x22: {  	v0 =	vmov s15;
	_ =	sdelay $0x3  }
0x23: {  	s18 =	simm.s32 $0x0  }
0x24: {  	v6 =	vld.idx.msk [tilespmem:v0+s18+$0x30 ss:$0x1], $0xffff  }
0x25: {  	v7 =	vld.idx.msk [tilespmem:v0+s18+$0xFFFFFFC0 ss:$0x1], $0xffff  }
0x26: {  	v5 =	vld.idx.msk [tilespmem:v0+s18+$0xFFFFFFD0 ss:$0x1], $0xffff  }
0x27: {  	v4 =	vld.idx.msk [tilespmem:v0+s18+$0xFFFFFFE0 ss:$0x1], $0xffff  }
0x28: {  	v3 =	vld.idx.msk [tilespmem:v0+s18+$0xFFFFFFF0 ss:$0x1], $0xffff  }
0x29: {  	v1 =	vld.idx.msk [tilespmem:v0+s18+$0x0 ss:$0x1], $0xffff  }
0x2a: {  	v2 =	vld.idx.msk [tilespmem:v0+s18+$0x10 ss:$0x1], $0xffff;
	[tilespmem:s13+$0x30] =	vst v6  }
0x2b: {  	s17 =	simm.s32 $0x80;
	s19 =	simm.s32 $0x400;
	[tilespmem:s13+$0xFFFFFFC0] =	vst v7;
	v6 =	vld.idx.msk [tilespmem:v0+s18+$0x20 ss:$0x1], $0xffff;
	s18 =	smov.u32 s13  }
.LBB1_4:
0x2c: {  	p1 =	sne.s32 s19, $0xE00;
	v7 =	vld.idx.msk [tilespmem:v0+s17+$0x30 ss:$0x1], $0xffff;
	[tilespmem:s18+$0xFFFFFFD0] =	vst v5  }
0x2d: {  	v8 =	vld.idx.msk [tilespmem:v0+s17+$0xFFFFFFC0 ss:$0x1], $0xffff;
	[tilespmem:s18+$0xFFFFFFE0] =	vst v4  }
0x2e: {  	v5 =	vld.idx.msk [tilespmem:v0+s17+$0xFFFFFFD0 ss:$0x1], $0xffff;
	[tilespmem:s18+$0xFFFFFFF0] =	vst v3  }
.Ltmp3:
0x2f: {  	v4 =	vld.idx.msk [tilespmem:v0+s17+$0xFFFFFFE0 ss:$0x1], $0xffff;
	[tilespmem:s18+$0x0] =	vst v1;
	(pc) =	sbr.rel @p1 .LBB1_4-.Ltmp3, $4  }
0x30: {  	v3 =	vld.idx.msk [tilespmem:v0+s17+$0xFFFFFFF0 ss:$0x1], $0xffff;
	[tilespmem:s18+$0x10] =	vst v2  }
0x31: {  	v1 =	vld.idx.msk [tilespmem:v0+s17+$0x0 ss:$0x1], $0xffff;
	[tilespmem:s18+$0x20] =	vst v6;
	s18 =	sadd.s32 $0x800, s18  }
0x32: {  	v2 =	vld.idx.msk [tilespmem:v0+s17+$0x10 ss:$0x1], $0xffff;
	[tilespmem:s18+$0x30] =	vst v7  }
0x33: {  	[tilespmem:s18+$0xFFFFFFC0] =	vst v8;
	v6 =	vld.idx.msk [tilespmem:v0+s17+$0x20 ss:$0x1], $0xffff;
	s17 =	sshra.s32 s19, $0x2;
	s19 =	sadd.s32 $0x200, s19  }
0x34: {  	_ =	sdelay $0x2  }
0x35: {  	[tilespmem:s18+$0xFFFFFFD0] =	vst v5  }
0x36: {  	v56 =	vld.idx.msk [tilespmem:v0+s17+$0x30 ss:$0x1], $0xffff;
	[tilespmem:s18+$0xFFFFFFE0] =	vst v4  }
0x37: {  	v57 =	vld.idx.msk [tilespmem:v0+s17+$0xFFFFFFC0 ss:$0x1], $0xffff;
	[tilespmem:s18+$0xFFFFFFF0] =	vst v3  }
0x38: {  	v58 =	vld.idx.msk [tilespmem:v0+s17+$0xFFFFFFD0 ss:$0x1], $0xffff;
	[tilespmem:s18+$0x0] =	vst v1  }
0x39: {  	v59 =	vld.idx.msk [tilespmem:v0+s17+$0xFFFFFFE0 ss:$0x1], $0xffff;
	[tilespmem:s18+$0x10] =	vst v2  }
0x3a: {  	v60 =	vld.idx.msk [tilespmem:v0+s17+$0xFFFFFFF0 ss:$0x1], $0xffff;
	s31 =	sadd.s32 $0x800, s18;
	[tilespmem:s18+$0x20] =	vst v6  }
0x3b: {  	v61 =	vld.idx.msk [tilespmem:v0+s17+$0x0 ss:$0x1], $0xffff;
	[tilespmem:s31+$0x30] =	vst v56  }
0x3c: {  	v62 =	vld.idx.msk [tilespmem:v0+s17+$0x10 ss:$0x1], $0xffff;
	s16 =	sadd.s32 $0x1, s16;
	[tilespmem:s31+$0xFFFFFFC0] =	vst v57  }
0x3d: {  	v63 =	vld.idx.msk [tilespmem:v0+s17+$0x20 ss:$0x1], $0xffff;
	p1 =	sne.s32 s16, $0x10;
	[tilespmem:s31+$0xFFFFFFD0] =	vst v58  }
.Ltmp4:
0x3e: {  	[tilespmem:s31+$0xFFFFFFE0] =	vst v59;
	(pc) =	sbr.rel @p1 .LBB1_3-.Ltmp4, $4  }
0x3f: {  	[tilespmem:s31+$0xFFFFFFF0] =	vst v60  }
0x40: {  	[tilespmem:s31+$0x0] =	vst v61  }
0x41: {  	[tilespmem:s31+$0x10] =	vst v62  }
0x42: {  	s13 =	sadd.s32 $0x80, s13;
	s15 =	sadd.s32 $0x400, s15;
	[tilespmem:s31+$0x20] =	vst v63  }
.Ltmp5:
0x43: {  	(pc) =	sbr.rel .LBB1_7-.Ltmp5, $4  }
0x44: {  	s12 =	sshll.u32 s12, $0xC;
	s11 =	sshll.u32 s11, $0x4  }
0x45: {  	s11 =	sand.u32 $0x1F0, s11;
	s12 =	sadd.s32 s3, s12  }
0x46: {  	s11 =	sadd.s32 s11, s12  }
0x47: {  	[hbm4b:s11+s6] =	stream.strided.scatter [tilespmem:s14], [sflag:$0x2], $0x4000, s7, s6, $0x38;
	[tilespmem:$0x10000] =	vst v63  }
.LBB1_8:
0x48: {  	_ =	sfence.sel $0x180000  }
0x49: {  	s2 =	simm.s32 $0x1;
	[bflag:$0x0] =	sbarrier.arrive $0xFFFF  }
0x4a: {  	s31 =	simm.s32 $0x2;
	[sflag:s2] =	ssyncpa.u1 $0x1  }
0x4b: {  	[sflag:s31] =	ssyncpa.u1 $0x1  }
0x4c: {  	p0 =	sne.s32 s1, $0x0;
	_ =	strace $0x90000047  }
0x4d: {  	s0 =	sadd.s32 @!p0 $0x100000, s0;
	[bflag:$0x2] =	sbarrier.arrive $0xFFFF  }
0x4e: {  	[sflag:s0] =	ssyncadd.tile.s32 @!p0 $0x1;
	_ =	shalt  }
.Lfunc_end1:
_tile_overlayer_lowered:
.L_overlay_start_2:
0x4f: {  	(tag) =	ssettag $0x2  }
0x50: {  	s0 =	rddreg [dreg:$0x0];
	s2 =	stileid.u32  }
0x51: {  	s1 =	rddreg [dreg:$0x1];
	p0 =	sne.s32 s2, $0x0  }
0x52: {  	s3 =	rddreg [dreg:$0x2];
	[bflag:$0x3] =	sbarrier.arrive $0xFFFF;
	s2 =	simm.s32 @!p0 $0x1C01  }
0x53: {  	[timem:s3], [sflag:s2] =	dma.local @!p0 [hbm:s0], s1  }
0x54: {  	s0 =	simm.s32 @!p0 $0x1  }
0x55: {  	_ =	swait.ge @!p0 [sflag:s0], s1  }
0x56: {  	s1 =	ssub.s32 @!p0 $0x0, s1;
	[sflag:s0] =	ssyncset.done @!p0 $0x0  }
0x57: {  	[sflag:s0] =	ssyncadd.s32 @!p0 s1  }
0x58: {  	[bflag:$0x3] =	sbarrier.arrive $0xFFFF  }
0x59: {  	_ =	shalt  }

</sc_bundles>
